<compile_context>
chip_gen: v7x
topology: tpu7x:2x2x1
jax: 0.10.2.dev20260603
libtpu: 0.0.44.dev20260713+nightly
codegen_flags: <defaults>
</compile_context>

<pallas_src>
import functools

import jax
import jax.numpy as jnp
from jax import lax
from jax.experimental import pallas as pl
from jax.experimental.pallas import tpu as pltpu
from jax.experimental.pallas import tpu_sc as plsc

RATE = 0.1
SCALE = 1.0 / (1.0 - RATE)

B = 4096
L = 50
DIM = 32
NW = 32
BPW = B // NW
BCHUNK = 16
NCHUNK = BPW // BCHUNK


def _sc_body(ids_hbm, mask_hbm, w_hbm, out_hbm, idx_v, rows_v, mask_v, out_v, sem):
    c = lax.axis_index("c")
    s = lax.axis_index("s")
    wid = s * 2 + c
    b_base = wid * BPW

    def chunk_body(k, carry):
        b0 = b_base + k * BCHUNK
        pltpu.sync_copy(ids_hbm.at[pl.ds(b0, BCHUNK)], idx_v)
        copies = [
            pltpu.async_copy(w_hbm.at[idx_v.at[j]], rows_v.at[j], sem)
            for j in range(BCHUNK)
        ]
        pltpu.sync_copy(mask_hbm.at[pl.ds(b0, BCHUNK)], mask_v)
        for cp in copies:
            cp.wait()

        def row_body(bi, inner):
            def l_body(l, inner2):
                for h in range(DIM // 16):
                    sl = pl.ds(h * 16, 16)
                    u = mask_v[bi, l, sl]
                    scale = jnp.where(u >= RATE, SCALE, 0.0)
                    out_v[bi, l, sl] = rows_v[bi, l, sl] * scale
                return inner2

            return lax.fori_loop(0, L, l_body, inner, unroll=5)

        lax.fori_loop(0, BCHUNK, row_body, 0)

        pltpu.sync_copy(out_v, out_hbm.at[pl.ds(b0, BCHUNK)])
        return carry

    lax.fori_loop(0, NCHUNK, chunk_body, 0)


@jax.jit
def _run(ids, mask_u, w):
    kern = functools.partial(
        pl.kernel,
        mesh=plsc.VectorSubcoreMesh(core_axis_name="c", subcore_axis_name="s"),
        out_type=jax.ShapeDtypeStruct((B, L, DIM), jnp.float32),
        compiler_params=pltpu.CompilerParams(use_tc_tiling_on_sc=False),
        scratch_types=[
            pltpu.VMEM((BCHUNK, L), jnp.int32),
            pltpu.VMEM((BCHUNK, L, DIM), jnp.float32),
            pltpu.VMEM((BCHUNK, L, DIM), jnp.float32),
            pltpu.VMEM((BCHUNK, L, DIM), jnp.float32),
            pltpu.SemaphoreType.DMA,
        ],
    )(_sc_body)
    return kern(ids, mask_u, w)


def kernel(ids, w, mask_u):
    return _run(ids, mask_u, w)

# --- scband reference (transcript-rebuilt; emitter-appended) ---
"""Pipeline reference for scband-triple-layer-29283087024390 (READ-ONLY COPY).

The authoritative reference and input builder live on the scoring server;
editing this copy changes nothing except your own understanding.
"""

import jax, jax.numpy as jnp
import numpy as np

VOCAB = 1000000
DIM = 32
B = 4096
L = 50
RATE = 0.1  # tf.nn.dropout rate (second positional arg)


def setup_inputs(seed: int = 0) -> dict:
    key = jax.random.key(seed)
    k1, k2, k3 = jax.random.split(key, 3)
    ids = jax.random.randint(k1, (B, L), 0, VOCAB, dtype=jnp.int32)
    # learned (frozen) lookup table 'triple' -> self.w in the keras layer
    w = jax.random.normal(k2, (VOCAB, DIM), dtype=jnp.float32)
    # deterministic dropout randomness (uniforms); keep if u >= RATE, like tf.nn.dropout
    mask_u = jax.random.uniform(k3, (B, L, DIM), dtype=jnp.float32)
    return {"ids": ids, "w": w, "mask_u": mask_u}


def reference(ids, w, mask_u):
    # tf.nn.embedding_lookup(params=w, ids=inputs)
    lookup = jnp.take(w, ids, axis=0)
    # tf.nn.dropout(lookup, rate=RATE): zero with prob RATE, scale kept by 1/(1-RATE)
    keep = (mask_u >= RATE).astype(lookup.dtype)
    return lookup * keep / (1.0 - RATE)

if __name__ == "__main__":
    import jax
    _d = setup_inputs()
    print(jax.jit(kernel)(*tuple(_d.values())))

</pallas_src>

<mosaic_0001>
#map = affine_map<(d0, d1) -> (0, 0)>
#map1 = affine_map<(d0, d1) -> (0, 0, 0)>
module attributes {stable_mosaic.version = 14 : i64} {
  func.func @_sc_body(%arg0: i32, %arg1: i32, %arg2: memref<4096x50xi32, #tpu.memory_space<hbm>>, %arg3: memref<4096x50x32xf32, #tpu.memory_space<hbm>>, %arg4: memref<1000000x32xf32, #tpu.memory_space<hbm>>, %arg5: memref<4096x50x32xf32, #tpu.memory_space<hbm>>, %arg6: memref<16x50xi32, #tpu.memory_space<vmem>>, %arg7: memref<16x50x32xf32, #tpu.memory_space<vmem>>, %arg8: memref<16x50x32xf32, #tpu.memory_space<vmem>>, %arg9: memref<16x50x32xf32, #tpu.memory_space<vmem>>, %arg10: memref<!tpu.dma_semaphore, #tpu.memory_space<semaphore_mem>>) attributes {dimension_semantics = [#tpu.dimension_semantics<core_parallel>, #tpu.dimension_semantics<subcore_parallel>], iteration_bounds = array<i64: 2, 16>, scalar_prefetch = 0 : i64, scratch_operands = 5 : i64, tpu.core_type = #tpu.core_type<sc_vector_subcore>, window_params = [{transform_indices = #map}, {transform_indices = #map1}, {transform_indices = #map}, {transform_indices = #map1}]} {
    %mul3A = arith.constant 2 : i32
    %mul3A_0 = arith.muli %arg1, %mul3A : i32
    %add3A = arith.addi %mul3A_0, %arg0 : i32
    %mul3A_1 = arith.constant 128 : i32
    %mul3A_2 = arith.muli %add3A, %mul3A_1 : i32
    %scan3A = arith.constant 0 : i32
    %scan3A_3 = arith.constant 0 : i32
    %scan3A_4 = arith.constant 8 : i32
    %scan3A_5 = arith.addi %scan3A_3, %scan3A_4 : i32
    %scan3A_6 = arith.constant 1 : i32
    scf.for %scan3A_8 = %scan3A_3 to %scan3A_5 step %scan3A_6  : i32 {
      %mul3A_9 = arith.constant 16 : i32
      %mul3A_10 = arith.muli %scan3A_8, %mul3A_9 : i32
      %add3A_11 = arith.addi %mul3A_2, %mul3A_10 : i32
      "tpu.region"() ({
        %run_scoped3A = tpu.sem_alloc : memref<!tpu.dma_semaphore, #tpu.memory_space<semaphore_mem>>
        %dma_start3A_400 = arith.constant 0 : i32
        %dma_start3A_401 = tpu.memref_slice %arg2[%add3A_11, %dma_start3A_400] : memref<4096x50xi32, #tpu.memory_space<hbm>> -> memref<16x50xi32, #tpu.memory_space<hbm>>
        %dma_start3A_402 = arith.constant 0 : i32
        %dma_start3A_403 = tpu.memref_slice %arg2[%add3A_11, %dma_start3A_402] : memref<4096x50xi32, #tpu.memory_space<hbm>> -> memref<16x50xi32, #tpu.memory_space<hbm>>
        tpu.enqueue_dma source(%dma_start3A_403 : memref<16x50xi32, #tpu.memory_space<hbm>>) target(%arg6 : memref<16x50xi32, #tpu.memory_space<vmem>>) target_semaphore(%run_scoped3A : memref<!tpu.dma_semaphore, #tpu.memory_space<semaphore_mem>>)
        %dma_wait3A_404 = arith.constant 0 : i32
        %dma_wait3A_405 = tpu.memref_slice %arg2[%add3A_11, %dma_wait3A_404] : memref<4096x50xi32, #tpu.memory_space<hbm>> -> memref<16x50xi32, #tpu.memory_space<hbm>>
        %dma_wait3A_406 = arith.constant 0 : i32
        %dma_wait3A_407 = tpu.memref_slice %arg2[%add3A_11, %dma_wait3A_406] : memref<4096x50xi32, #tpu.memory_space<hbm>> -> memref<16x50xi32, #tpu.memory_space<hbm>>
        tpu.wait_dma2 semaphore(%run_scoped3A : memref<!tpu.dma_semaphore, #tpu.memory_space<semaphore_mem>>) src(%dma_wait3A_407 : memref<16x50xi32, #tpu.memory_space<hbm>>) dst(%arg6 : memref<16x50xi32, #tpu.memory_space<vmem>>)
        tpu.yield
      }) : () -> ()
      %dma_start3A = arith.constant 0 : i32
      %dma_start3A_12 = arith.constant 0 : i32
      %dma_start3A_13 = arith.constant 0 : i32
      %dma_start3A_14 = arith.constant 0 : i32
      %dma_start3A_15 = tpu.memref_slice %arg7[%dma_start3A_12, %dma_start3A_13, %dma_start3A_14] : memref<16x50x32xf32, #tpu.memory_space<vmem>> -> memref<1x50x32xf32, #tpu.memory_space<vmem>>
      %dma_start3A_16 = tpu.memref_squeeze %dma_start3A_15 : memref<1x50x32xf32, #tpu.memory_space<vmem>> -> memref<50x32xf32, #tpu.memory_space<vmem>>
      %dma_start3A_17 = arith.constant 0 : i32
      %dma_start3A_18 = tpu.memref_slice %arg6[%dma_start3A, %dma_start3A_17] : memref<16x50xi32, #tpu.memory_space<vmem>> -> memref<1x50xi32, #tpu.memory_space<vmem>>
      %dma_start3A_19 = tpu.memref_squeeze %dma_start3A_18 : memref<1x50xi32, #tpu.memory_space<vmem>> -> memref<50xi32, #tpu.memory_space<vmem>>
      %dma_start3A_20 = arith.constant 0 : i32
      %dma_start3A_21 = arith.constant 0 : i32
      %dma_start3A_22 = tpu.memref_slice %arg4[%dma_start3A_20, %dma_start3A_21] : memref<1000000x32xf32, #tpu.memory_space<hbm>> -> memref<1000000x32xf32, #tpu.memory_space<hbm>>
      tpu.enqueue_indirect_dma source(%dma_start3A_22 : memref<1000000x32xf32, #tpu.memory_space<hbm>>) target(%dma_start3A_16 : memref<50x32xf32, #tpu.memory_space<vmem>>) offsets(%dma_start3A_19 : memref<50xi32, #tpu.memory_space<vmem>>) semaphore(%arg10 : memref<!tpu.dma_semaphore, #tpu.memory_space<semaphore_mem>>)
      %dma_start3A_23 = arith.constant 1 : i32
      %dma_start3A_24 = arith.constant 1 : i32
      %dma_start3A_25 = arith.constant 0 : i32
      %dma_start3A_26 = arith.constant 0 : i32
      %dma_start3A_27 = tpu.memref_slice %arg7[%dma_start3A_24, %dma_start3A_25, %dma_start3A_26] : memref<16x50x32xf32, #tpu.memory_space<vmem>> -> memref<1x50x32xf32, #tpu.memory_space<vmem>>
      %dma_start3A_28 = tpu.memref_squeeze %dma_start3A_27 : memref<1x50x32xf32, #tpu.memory_space<vmem>> -> memref<50x32xf32, #tpu.memory_space<vmem>>
      %dma_start3A_29 = arith.constant 0 : i32
      %dma_start3A_30 = tpu.memref_slice %arg6[%dma_start3A_23, %dma_start3A_29] : memref<16x50xi32, #tpu.memory_space<vmem>> -> memref<1x50xi32, #tpu.memory_space<vmem>>
      %dma_start3A_31 = tpu.memref_squeeze %dma_start3A_30 : memref<1x50xi32, #tpu.memory_space<vmem>> -> memref<50xi32, #tpu.memory_space<vmem>>
      %dma_start3A_32 = arith.constant 0 : i32
      %dma_start3A_33 = arith.constant 0 : i32
      %dma_start3A_34 = tpu.memref_slice %arg4[%dma_start3A_32, %dma_start3A_33] : memref<1000000x32xf32, #tpu.memory_space<hbm>> -> memref<1000000x32xf32, #tpu.memory_space<hbm>>
      tpu.enqueue_indirect_dma source(%dma_start3A_34 : memref<1000000x32xf32, #tpu.memory_space<hbm>>) target(%dma_start3A_28 : memref<50x32xf32, #tpu.memory_space<vmem>>) offsets(%dma_start3A_31 : memref<50xi32, #tpu.memory_space<vmem>>) semaphore(%arg10 : memref<!tpu.dma_semaphore, #tpu.memory_space<semaphore_mem>>)
      %dma_start3A_35 = arith.constant 2 : i32
      %dma_start3A_36 = arith.constant 2 : i32
      %dma_start3A_37 = arith.constant 0 : i32
      %dma_start3A_38 = arith.constant 0 : i32
      %dma_start3A_39 = tpu.memref_slice %arg7[%dma_start3A_36, %dma_start3A_37, %dma_start3A_38] : memref<16x50x32xf32, #tpu.memory_space<vmem>> -> memref<1x50x32xf32, #tpu.memory_space<vmem>>
      %dma_start3A_40 = tpu.memref_squeeze %dma_start3A_39 : memref<1x50x32xf32, #tpu.memory_space<vmem>> -> memref<50x32xf32, #tpu.memory_space<vmem>>
      %dma_start3A_41 = arith.constant 0 : i32
      %dma_start3A_42 = tpu.memref_slice %arg6[%dma_start3A_35, %dma_start3A_41] : memref<16x50xi32, #tpu.memory_space<vmem>> -> memref<1x50xi32, #tpu.memory_space<vmem>>
      %dma_start3A_43 = tpu.memref_squeeze %dma_start3A_42 : memref<1x50xi32, #tpu.memory_space<vmem>> -> memref<50xi32, #tpu.memory_space<vmem>>
      %dma_start3A_44 = arith.constant 0 : i32
      %dma_start3A_45 = arith.constant 0 : i32
      %dma_start3A_46 = tpu.memref_slice %arg4[%dma_start3A_44, %dma_start3A_45] : memref<1000000x32xf32, #tpu.memory_space<hbm>> -> memref<1000000x32xf32, #tpu.memory_space<hbm>>
      tpu.enqueue_indirect_dma source(%dma_start3A_46 : memref<1000000x32xf32, #tpu.memory_space<hbm>>) target(%dma_start3A_40 : memref<50x32xf32, #tpu.memory_space<vmem>>) offsets(%dma_start3A_43 : memref<50xi32, #tpu.memory_space<vmem>>) semaphore(%arg10 : memref<!tpu.dma_semaphore, #tpu.memory_space<semaphore_mem>>)
      %dma_start3A_47 = arith.constant 3 : i32
      %dma_start3A_48 = arith.constant 3 : i32
      %dma_start3A_49 = arith.constant 0 : i32
      %dma_start3A_50 = arith.constant 0 : i32
      %dma_start3A_51 = tpu.memref_slice %arg7[%dma_start3A_48, %dma_start3A_49, %dma_start3A_50] : memref<16x50x32xf32, #tpu.memory_space<vmem>> -> memref<1x50x32xf32, #tpu.memory_space<vmem>>
      %dma_start3A_52 = tpu.memref_squeeze %dma_start3A_51 : memref<1x50x32xf32, #tpu.memory_space<vmem>> -> memref<50x32xf32, #tpu.memory_space<vmem>>
      %dma_start3A_53 = arith.constant 0 : i32
      %dma_start3A_54 = tpu.memref_slice %arg6[%dma_start3A_47, %dma_start3A_53] : memref<16x50xi32, #tpu.memory_space<vmem>> -> memref<1x50xi32, #tpu.memory_space<vmem>>
      %dma_start3A_55 = tpu.memref_squeeze %dma_start3A_54 : memref<1x50xi32, #tpu.memory_space<vmem>> -> memref<50xi32, #tpu.memory_space<vmem>>
      %dma_start3A_56 = arith.constant 0 : i32
      %dma_start3A_57 = arith.constant 0 : i32
      %dma_start3A_58 = tpu.memref_slice %arg4[%dma_start3A_56, %dma_start3A_57] : memref<1000000x32xf32, #tpu.memory_space<hbm>> -> memref<1000000x32xf32, #tpu.memory_space<hbm>>
      tpu.enqueue_indirect_dma source(%dma_start3A_58 : memref<1000000x32xf32, #tpu.memory_space<hbm>>) target(%dma_start3A_52 : memref<50x32xf32, #tpu.memory_space<vmem>>) offsets(%dma_start3A_55 : memref<50xi32, #tpu.memory_space<vmem>>) semaphore(%arg10 : memref<!tpu.dma_semaphore, #tpu.memory_space<semaphore_mem>>)
      %dma_start3A_59 = arith.constant 4 : i32
      %dma_start3A_60 = arith.constant 4 : i32
      %dma_start3A_61 = arith.constant 0 : i32
      %dma_start3A_62 = arith.constant 0 : i32
      %dma_start3A_63 = tpu.memref_slice %arg7[%dma_start3A_60, %dma_start3A_61, %dma_start3A_62] : memref<16x50x32xf32, #tpu.memory_space<vmem>> -> memref<1x50x32xf32, #tpu.memory_space<vmem>>
      %dma_start3A_64 = tpu.memref_squeeze %dma_start3A_63 : memref<1x50x32xf32, #tpu.memory_space<vmem>> -> memref<50x32xf32, #tpu.memory_space<vmem>>
      %dma_start3A_65 = arith.constant 0 : i32
      %dma_start3A_66 = tpu.memref_slice %arg6[%dma_start3A_59, %dma_start3A_65] : memref<16x50xi32, #tpu.memory_space<vmem>> -> memref<1x50xi32, #tpu.memory_space<vmem>>
      %dma_start3A_67 = tpu.memref_squeeze %dma_start3A_66 : memref<1x50xi32, #tpu.memory_space<vmem>> -> memref<50xi32, #tpu.memory_space<vmem>>
      %dma_start3A_68 = arith.constant 0 : i32
      %dma_start3A_69 = arith.constant 0 : i32
      %dma_start3A_70 = tpu.memref_slice %arg4[%dma_start3A_68, %dma_start3A_69] : memref<1000000x32xf32, #tpu.memory_space<hbm>> -> memref<1000000x32xf32, #tpu.memory_space<hbm>>
      tpu.enqueue_indirect_dma source(%dma_start3A_70 : memref<1000000x32xf32, #tpu.memory_space<hbm>>) target(%dma_start3A_64 : memref<50x32xf32, #tpu.memory_space<vmem>>) offsets(%dma_start3A_67 : memref<50xi32, #tpu.memory_space<vmem>>) semaphore(%arg10 : memref<!tpu.dma_semaphore, #tpu.memory_space<semaphore_mem>>)
      %dma_start3A_71 = arith.constant 5 : i32
      %dma_start3A_72 = arith.constant 5 : i32
      %dma_start3A_73 = arith.constant 0 : i32
      %dma_start3A_74 = arith.constant 0 : i32
      %dma_start3A_75 = tpu.memref_slice %arg7[%dma_start3A_72, %dma_start3A_73, %dma_start3A_74] : memref<16x50x32xf32, #tpu.memory_space<vmem>> -> memref<1x50x32xf32, #tpu.memory_space<vmem>>
      %dma_start3A_76 = tpu.memref_squeeze %dma_start3A_75 : memref<1x50x32xf32, #tpu.memory_space<vmem>> -> memref<50x32xf32, #tpu.memory_space<vmem>>
      %dma_start3A_77 = arith.constant 0 : i32
      %dma_start3A_78 = tpu.memref_slice %arg6[%dma_start3A_71, %dma_start3A_77] : memref<16x50xi32, #tpu.memory_space<vmem>> -> memref<1x50xi32, #tpu.memory_space<vmem>>
      %dma_start3A_79 = tpu.memref_squeeze %dma_start3A_78 : memref<1x50xi32, #tpu.memory_space<vmem>> -> memref<50xi32, #tpu.memory_space<vmem>>
      %dma_start3A_80 = arith.constant 0 : i32
      %dma_start3A_81 = arith.constant 0 : i32
      %dma_start3A_82 = tpu.memref_slice %arg4[%dma_start3A_80, %dma_start3A_81] : memref<1000000x32xf32, #tpu.memory_space<hbm>> -> memref<1000000x32xf32, #tpu.memory_space<hbm>>
      tpu.enqueue_indirect_dma source(%dma_start3A_82 : memref<1000000x32xf32, #tpu.memory_space<hbm>>) target(%dma_start3A_76 : memref<50x32xf32, #tpu.memory_space<vmem>>) offsets(%dma_start3A_79 : memref<50xi32, #tpu.memory_space<vmem>>) semaphore(%arg10 : memref<!tpu.dma_semaphore, #tpu.memory_space<semaphore_mem>>)
      %dma_start3A_83 = arith.constant 6 : i32
      %dma_start3A_84 = arith.constant 6 : i32
      %dma_start3A_85 = arith.constant 0 : i32
      %dma_start3A_86 = arith.constant 0 : i32
      %dma_start3A_87 = tpu.memref_slice %arg7[%dma_start3A_84, %dma_start3A_85, %dma_start3A_86] : memref<16x50x32xf32, #tpu.memory_space<vmem>> -> memref<1x50x32xf32, #tpu.memory_space<vmem>>
      %dma_start3A_88 = tpu.memref_squeeze %dma_start3A_87 : memref<1x50x32xf32, #tpu.memory_space<vmem>> -> memref<50x32xf32, #tpu.memory_space<vmem>>
      %dma_start3A_89 = arith.constant 0 : i32
      %dma_start3A_90 = tpu.memref_slice %arg6[%dma_start3A_83, %dma_start3A_89] : memref<16x50xi32, #tpu.memory_space<vmem>> -> memref<1x50xi32, #tpu.memory_space<vmem>>
      %dma_start3A_91 = tpu.memref_squeeze %dma_start3A_90 : memref<1x50xi32, #tpu.memory_space<vmem>> -> memref<50xi32, #tpu.memory_space<vmem>>
      %dma_start3A_92 = arith.constant 0 : i32
      %dma_start3A_93 = arith.constant 0 : i32
      %dma_start3A_94 = tpu.memref_slice %arg4[%dma_start3A_92, %dma_start3A_93] : memref<1000000x32xf32, #tpu.memory_space<hbm>> -> memref<1000000x32xf32, #tpu.memory_space<hbm>>
      tpu.enqueue_indirect_dma source(%dma_start3A_94 : memref<1000000x32xf32, #tpu.memory_space<hbm>>) target(%dma_start3A_88 : memref<50x32xf32, #tpu.memory_space<vmem>>) offsets(%dma_start3A_91 : memref<50xi32, #tpu.memory_space<vmem>>) semaphore(%arg10 : memref<!tpu.dma_semaphore, #tpu.memory_space<semaphore_mem>>)
      %dma_start3A_95 = arith.constant 7 : i32
      %dma_start3A_96 = arith.constant 7 : i32
      %dma_start3A_97 = arith.constant 0 : i32
      %dma_start3A_98 = arith.constant 0 : i32
      %dma_start3A_99 = tpu.memref_slice %arg7[%dma_start3A_96, %dma_start3A_97, %dma_start3A_98] : memref<16x50x32xf32, #tpu.memory_space<vmem>> -> memref<1x50x32xf32, #tpu.memory_space<vmem>>
      %dma_start3A_100 = tpu.memref_squeeze %dma_start3A_99 : memref<1x50x32xf32, #tpu.memory_space<vmem>> -> memref<50x32xf32, #tpu.memory_space<vmem>>
      %dma_start3A_101 = arith.constant 0 : i32
      %dma_start3A_102 = tpu.memref_slice %arg6[%dma_start3A_95, %dma_start3A_101] : memref<16x50xi32, #tpu.memory_space<vmem>> -> memref<1x50xi32, #tpu.memory_space<vmem>>
      %dma_start3A_103 = tpu.memref_squeeze %dma_start3A_102 : memref<1x50xi32, #tpu.memory_space<vmem>> -> memref<50xi32, #tpu.memory_space<vmem>>
      %dma_start3A_104 = arith.constant 0 : i32
      %dma_start3A_105 = arith.constant 0 : i32
      %dma_start3A_106 = tpu.memref_slice %arg4[%dma_start3A_104, %dma_start3A_105] : memref<1000000x32xf32, #tpu.memory_space<hbm>> -> memref<1000000x32xf32, #tpu.memory_space<hbm>>
      tpu.enqueue_indirect_dma source(%dma_start3A_106 : memref<1000000x32xf32, #tpu.memory_space<hbm>>) target(%dma_start3A_100 : memref<50x32xf32, #tpu.memory_space<vmem>>) offsets(%dma_start3A_103 : memref<50xi32, #tpu.memory_space<vmem>>) semaphore(%arg10 : memref<!tpu.dma_semaphore, #tpu.memory_space<semaphore_mem>>)
      %dma_start3A_107 = arith.constant 8 : i32
      %dma_start3A_108 = arith.constant 8 : i32
      %dma_start3A_109 = arith.constant 0 : i32
      %dma_start3A_110 = arith.constant 0 : i32
      %dma_start3A_111 = tpu.memref_slice %arg7[%dma_start3A_108, %dma_start3A_109, %dma_start3A_110] : memref<16x50x32xf32, #tpu.memory_space<vmem>> -> memref<1x50x32xf32, #tpu.memory_space<vmem>>
      %dma_start3A_112 = tpu.memref_squeeze %dma_start3A_111 : memref<1x50x32xf32, #tpu.memory_space<vmem>> -> memref<50x32xf32, #tpu.memory_space<vmem>>
      %dma_start3A_113 = arith.constant 0 : i32
      %dma_start3A_114 = tpu.memref_slice %arg6[%dma_start3A_107, %dma_start3A_113] : memref<16x50xi32, #tpu.memory_space<vmem>> -> memref<1x50xi32, #tpu.memory_space<vmem>>
      %dma_start3A_115 = tpu.memref_squeeze %dma_start3A_114 : memref<1x50xi32, #tpu.memory_space<vmem>> -> memref<50xi32, #tpu.memory_space<vmem>>
      %dma_start3A_116 = arith.constant 0 : i32
      %dma_start3A_117 = arith.constant 0 : i32
      %dma_start3A_118 = tpu.memref_slice %arg4[%dma_start3A_116, %dma_start3A_117] : memref<1000000x32xf32, #tpu.memory_space<hbm>> -> memref<1000000x32xf32, #tpu.memory_space<hbm>>
      tpu.enqueue_indirect_dma source(%dma_start3A_118 : memref<1000000x32xf32, #tpu.memory_space<hbm>>) target(%dma_start3A_112 : memref<50x32xf32, #tpu.memory_space<vmem>>) offsets(%dma_start3A_115 : memref<50xi32, #tpu.memory_space<vmem>>) semaphore(%arg10 : memref<!tpu.dma_semaphore, #tpu.memory_space<semaphore_mem>>)
      %dma_start3A_119 = arith.constant 9 : i32
      %dma_start3A_120 = arith.constant 9 : i32
      %dma_start3A_121 = arith.constant 0 : i32
      %dma_start3A_122 = arith.constant 0 : i32
      %dma_start3A_123 = tpu.memref_slice %arg7[%dma_start3A_120, %dma_start3A_121, %dma_start3A_122] : memref<16x50x32xf32, #tpu.memory_space<vmem>> -> memref<1x50x32xf32, #tpu.memory_space<vmem>>
      %dma_start3A_124 = tpu.memref_squeeze %dma_start3A_123 : memref<1x50x32xf32, #tpu.memory_space<vmem>> -> memref<50x32xf32, #tpu.memory_space<vmem>>
      %dma_start3A_125 = arith.constant 0 : i32
      %dma_start3A_126 = tpu.memref_slice %arg6[%dma_start3A_119, %dma_start3A_125] : memref<16x50xi32, #tpu.memory_space<vmem>> -> memref<1x50xi32, #tpu.memory_space<vmem>>
      %dma_start3A_127 = tpu.memref_squeeze %dma_start3A_126 : memref<1x50xi32, #tpu.memory_space<vmem>> -> memref<50xi32, #tpu.memory_space<vmem>>
      %dma_start3A_128 = arith.constant 0 : i32
      %dma_start3A_129 = arith.constant 0 : i32
      %dma_start3A_130 = tpu.memref_slice %arg4[%dma_start3A_128, %dma_start3A_129] : memref<1000000x32xf32, #tpu.memory_space<hbm>> -> memref<1000000x32xf32, #tpu.memory_space<hbm>>
      tpu.enqueue_indirect_dma source(%dma_start3A_130 : memref<1000000x32xf32, #tpu.memory_space<hbm>>) target(%dma_start3A_124 : memref<50x32xf32, #tpu.memory_space<vmem>>) offsets(%dma_start3A_127 : memref<50xi32, #tpu.memory_space<vmem>>) semaphore(%arg10 : memref<!tpu.dma_semaphore, #tpu.memory_space<semaphore_mem>>)
      %dma_start3A_131 = arith.constant 10 : i32
      %dma_start3A_132 = arith.constant 10 : i32
      %dma_start3A_133 = arith.constant 0 : i32
      %dma_start3A_134 = arith.constant 0 : i32
      %dma_start3A_135 = tpu.memref_slice %arg7[%dma_start3A_132, %dma_start3A_133, %dma_start3A_134] : memref<16x50x32xf32, #tpu.memory_space<vmem>> -> memref<1x50x32xf32, #tpu.memory_space<vmem>>
      %dma_start3A_136 = tpu.memref_squeeze %dma_start3A_135 : memref<1x50x32xf32, #tpu.memory_space<vmem>> -> memref<50x32xf32, #tpu.memory_space<vmem>>
      %dma_start3A_137 = arith.constant 0 : i32
      %dma_start3A_138 = tpu.memref_slice %arg6[%dma_start3A_131, %dma_start3A_137] : memref<16x50xi32, #tpu.memory_space<vmem>> -> memref<1x50xi32, #tpu.memory_space<vmem>>
      %dma_start3A_139 = tpu.memref_squeeze %dma_start3A_138 : memref<1x50xi32, #tpu.memory_space<vmem>> -> memref<50xi32, #tpu.memory_space<vmem>>
      %dma_start3A_140 = arith.constant 0 : i32
      %dma_start3A_141 = arith.constant 0 : i32
      %dma_start3A_142 = tpu.memref_slice %arg4[%dma_start3A_140, %dma_start3A_141] : memref<1000000x32xf32, #tpu.memory_space<hbm>> -> memref<1000000x32xf32, #tpu.memory_space<hbm>>
      tpu.enqueue_indirect_dma source(%dma_start3A_142 : memref<1000000x32xf32, #tpu.memory_space<hbm>>) target(%dma_start3A_136 : memref<50x32xf32, #tpu.memory_space<vmem>>) offsets(%dma_start3A_139 : memref<50xi32, #tpu.memory_space<vmem>>) semaphore(%arg10 : memref<!tpu.dma_semaphore, #tpu.memory_space<semaphore_mem>>)
      %dma_start3A_143 = arith.constant 11 : i32
      %dma_start3A_144 = arith.constant 11 : i32
      %dma_start3A_145 = arith.constant 0 : i32
      %dma_start3A_146 = arith.constant 0 : i32
      %dma_start3A_147 = tpu.memref_slice %arg7[%dma_start3A_144, %dma_start3A_145, %dma_start3A_146] : memref<16x50x32xf32, #tpu.memory_space<vmem>> -> memref<1x50x32xf32, #tpu.memory_space<vmem>>
      %dma_start3A_148 = tpu.memref_squeeze %dma_start3A_147 : memref<1x50x32xf32, #tpu.memory_space<vmem>> -> memref<50x32xf32, #tpu.memory_space<vmem>>
      %dma_start3A_149 = arith.constant 0 : i32
      %dma_start3A_150 = tpu.memref_slice %arg6[%dma_start3A_143, %dma_start3A_149] : memref<16x50xi32, #tpu.memory_space<vmem>> -> memref<1x50xi32, #tpu.memory_space<vmem>>
      %dma_start3A_151 = tpu.memref_squeeze %dma_start3A_150 : memref<1x50xi32, #tpu.memory_space<vmem>> -> memref<50xi32, #tpu.memory_space<vmem>>
      %dma_start3A_152 = arith.constant 0 : i32
      %dma_start3A_153 = arith.constant 0 : i32
      %dma_start3A_154 = tpu.memref_slice %arg4[%dma_start3A_152, %dma_start3A_153] : memref<1000000x32xf32, #tpu.memory_space<hbm>> -> memref<1000000x32xf32, #tpu.memory_space<hbm>>
      tpu.enqueue_indirect_dma source(%dma_start3A_154 : memref<1000000x32xf32, #tpu.memory_space<hbm>>) target(%dma_start3A_148 : memref<50x32xf32, #tpu.memory_space<vmem>>) offsets(%dma_start3A_151 : memref<50xi32, #tpu.memory_space<vmem>>) semaphore(%arg10 : memref<!tpu.dma_semaphore, #tpu.memory_space<semaphore_mem>>)
      %dma_start3A_155 = arith.constant 12 : i32
      %dma_start3A_156 = arith.constant 12 : i32
      %dma_start3A_157 = arith.constant 0 : i32
      %dma_start3A_158 = arith.constant 0 : i32
      %dma_start3A_159 = tpu.memref_slice %arg7[%dma_start3A_156, %dma_start3A_157, %dma_start3A_158] : memref<16x50x32xf32, #tpu.memory_space<vmem>> -> memref<1x50x32xf32, #tpu.memory_space<vmem>>
      %dma_start3A_160 = tpu.memref_squeeze %dma_start3A_159 : memref<1x50x32xf32, #tpu.memory_space<vmem>> -> memref<50x32xf32, #tpu.memory_space<vmem>>
      %dma_start3A_161 = arith.constant 0 : i32
      %dma_start3A_162 = tpu.memref_slice %arg6[%dma_start3A_155, %dma_start3A_161] : memref<16x50xi32, #tpu.memory_space<vmem>> -> memref<1x50xi32, #tpu.memory_space<vmem>>
      %dma_start3A_163 = tpu.memref_squeeze %dma_start3A_162 : memref<1x50xi32, #tpu.memory_space<vmem>> -> memref<50xi32, #tpu.memory_space<vmem>>
      %dma_start3A_164 = arith.constant 0 : i32
      %dma_start3A_165 = arith.constant 0 : i32
      %dma_start3A_166 = tpu.memref_slice %arg4[%dma_start3A_164, %dma_start3A_165] : memref<1000000x32xf32, #tpu.memory_space<hbm>> -> memref<1000000x32xf32, #tpu.memory_space<hbm>>
      tpu.enqueue_indirect_dma source(%dma_start3A_166 : memref<1000000x32xf32, #tpu.memory_space<hbm>>) target(%dma_start3A_160 : memref<50x32xf32, #tpu.memory_space<vmem>>) offsets(%dma_start3A_163 : memref<50xi32, #tpu.memory_space<vmem>>) semaphore(%arg10 : memref<!tpu.dma_semaphore, #tpu.memory_space<semaphore_mem>>)
      %dma_start3A_167 = arith.constant 13 : i32
      %dma_start3A_168 = arith.constant 13 : i32
      %dma_start3A_169 = arith.constant 0 : i32
      %dma_start3A_170 = arith.constant 0 : i32
      %dma_start3A_171 = tpu.memref_slice %arg7[%dma_start3A_168, %dma_start3A_169, %dma_start3A_170] : memref<16x50x32xf32, #tpu.memory_space<vmem>> -> memref<1x50x32xf32, #tpu.memory_space<vmem>>
      %dma_start3A_172 = tpu.memref_squeeze %dma_start3A_171 : memref<1x50x32xf32, #tpu.memory_space<vmem>> -> memref<50x32xf32, #tpu.memory_space<vmem>>
      %dma_start3A_173 = arith.constant 0 : i32
      %dma_start3A_174 = tpu.memref_slice %arg6[%dma_start3A_167, %dma_start3A_173] : memref<16x50xi32, #tpu.memory_space<vmem>> -> memref<1x50xi32, #tpu.memory_space<vmem>>
      %dma_start3A_175 = tpu.memref_squeeze %dma_start3A_174 : memref<1x50xi32, #tpu.memory_space<vmem>> -> memref<50xi32, #tpu.memory_space<vmem>>
      %dma_start3A_176 = arith.constant 0 : i32
      %dma_start3A_177 = arith.constant 0 : i32
      %dma_start3A_178 = tpu.memref_slice %arg4[%dma_start3A_176, %dma_start3A_177] : memref<1000000x32xf32, #tpu.memory_space<hbm>> -> memref<1000000x32xf32, #tpu.memory_space<hbm>>
      tpu.enqueue_indirect_dma source(%dma_start3A_178 : memref<1000000x32xf32, #tpu.memory_space<hbm>>) target(%dma_start3A_172 : memref<50x32xf32, #tpu.memory_space<vmem>>) offsets(%dma_start3A_175 : memref<50xi32, #tpu.memory_space<vmem>>) semaphore(%arg10 : memref<!tpu.dma_semaphore, #tpu.memory_space<semaphore_mem>>)
      %dma_start3A_179 = arith.constant 14 : i32
      %dma_start3A_180 = arith.constant 14 : i32
      %dma_start3A_181 = arith.constant 0 : i32
      %dma_start3A_182 = arith.constant 0 : i32
      %dma_start3A_183 = tpu.memref_slice %arg7[%dma_start3A_180, %dma_start3A_181, %dma_start3A_182] : memref<16x50x32xf32, #tpu.memory_space<vmem>> -> memref<1x50x32xf32, #tpu.memory_space<vmem>>
      %dma_start3A_184 = tpu.memref_squeeze %dma_start3A_183 : memref<1x50x32xf32, #tpu.memory_space<vmem>> -> memref<50x32xf32, #tpu.memory_space<vmem>>
      %dma_start3A_185 = arith.constant 0 : i32
      %dma_start3A_186 = tpu.memref_slice %arg6[%dma_start3A_179, %dma_start3A_185] : memref<16x50xi32, #tpu.memory_space<vmem>> -> memref<1x50xi32, #tpu.memory_space<vmem>>
      %dma_start3A_187 = tpu.memref_squeeze %dma_start3A_186 : memref<1x50xi32, #tpu.memory_space<vmem>> -> memref<50xi32, #tpu.memory_space<vmem>>
      %dma_start3A_188 = arith.constant 0 : i32
      %dma_start3A_189 = arith.constant 0 : i32
      %dma_start3A_190 = tpu.memref_slice %arg4[%dma_start3A_188, %dma_start3A_189] : memref<1000000x32xf32, #tpu.memory_space<hbm>> -> memref<1000000x32xf32, #tpu.memory_space<hbm>>
      tpu.enqueue_indirect_dma source(%dma_start3A_190 : memref<1000000x32xf32, #tpu.memory_space<hbm>>) target(%dma_start3A_184 : memref<50x32xf32, #tpu.memory_space<vmem>>) offsets(%dma_start3A_187 : memref<50xi32, #tpu.memory_space<vmem>>) semaphore(%arg10 : memref<!tpu.dma_semaphore, #tpu.memory_space<semaphore_mem>>)
      %dma_start3A_191 = arith.constant 15 : i32
      %dma_start3A_192 = arith.constant 15 : i32
      %dma_start3A_193 = arith.constant 0 : i32
      %dma_start3A_194 = arith.constant 0 : i32
      %dma_start3A_195 = tpu.memref_slice %arg7[%dma_start3A_192, %dma_start3A_193, %dma_start3A_194] : memref<16x50x32xf32, #tpu.memory_space<vmem>> -> memref<1x50x32xf32, #tpu.memory_space<vmem>>
      %dma_start3A_196 = tpu.memref_squeeze %dma_start3A_195 : memref<1x50x32xf32, #tpu.memory_space<vmem>> -> memref<50x32xf32, #tpu.memory_space<vmem>>
      %dma_start3A_197 = arith.constant 0 : i32
      %dma_start3A_198 = tpu.memref_slice %arg6[%dma_start3A_191, %dma_start3A_197] : memref<16x50xi32, #tpu.memory_space<vmem>> -> memref<1x50xi32, #tpu.memory_space<vmem>>
      %dma_start3A_199 = tpu.memref_squeeze %dma_start3A_198 : memref<1x50xi32, #tpu.memory_space<vmem>> -> memref<50xi32, #tpu.memory_space<vmem>>
      %dma_start3A_200 = arith.constant 0 : i32
      %dma_start3A_201 = arith.constant 0 : i32
      %dma_start3A_202 = tpu.memref_slice %arg4[%dma_start3A_200, %dma_start3A_201] : memref<1000000x32xf32, #tpu.memory_space<hbm>> -> memref<1000000x32xf32, #tpu.memory_space<hbm>>
      tpu.enqueue_indirect_dma source(%dma_start3A_202 : memref<1000000x32xf32, #tpu.memory_space<hbm>>) target(%dma_start3A_196 : memref<50x32xf32, #tpu.memory_space<vmem>>) offsets(%dma_start3A_199 : memref<50xi32, #tpu.memory_space<vmem>>) semaphore(%arg10 : memref<!tpu.dma_semaphore, #tpu.memory_space<semaphore_mem>>)
      "tpu.region"() ({
        %run_scoped3A = tpu.sem_alloc : memref<!tpu.dma_semaphore, #tpu.memory_space<semaphore_mem>>
        %dma_start3A_400 = arith.constant 0 : i32
        %dma_start3A_401 = arith.constant 0 : i32
        %dma_start3A_402 = tpu.memref_slice %arg3[%add3A_11, %dma_start3A_400, %dma_start3A_401] : memref<4096x50x32xf32, #tpu.memory_space<hbm>> -> memref<16x50x32xf32, #tpu.memory_space<hbm>>
        %dma_start3A_403 = arith.constant 0 : i32
        %dma_start3A_404 = arith.constant 0 : i32
        %dma_start3A_405 = tpu.memref_slice %arg3[%add3A_11, %dma_start3A_403, %dma_start3A_404] : memref<4096x50x32xf32, #tpu.memory_space<hbm>> -> memref<16x50x32xf32, #tpu.memory_space<hbm>>
        tpu.enqueue_dma source(%dma_start3A_405 : memref<16x50x32xf32, #tpu.memory_space<hbm>>) target(%arg8 : memref<16x50x32xf32, #tpu.memory_space<vmem>>) target_semaphore(%run_scoped3A : memref<!tpu.dma_semaphore, #tpu.memory_space<semaphore_mem>>)
        %dma_wait3A_406 = arith.constant 0 : i32
        %dma_wait3A_407 = arith.constant 0 : i32
        %dma_wait3A_408 = tpu.memref_slice %arg3[%add3A_11, %dma_wait3A_406, %dma_wait3A_407] : memref<4096x50x32xf32, #tpu.memory_space<hbm>> -> memref<16x50x32xf32, #tpu.memory_space<hbm>>
        %dma_wait3A_409 = arith.constant 0 : i32
        %dma_wait3A_410 = arith.constant 0 : i32
        %dma_wait3A_411 = tpu.memref_slice %arg3[%add3A_11, %dma_wait3A_409, %dma_wait3A_410] : memref<4096x50x32xf32, #tpu.memory_space<hbm>> -> memref<16x50x32xf32, #tpu.memory_space<hbm>>
        tpu.wait_dma2 semaphore(%run_scoped3A : memref<!tpu.dma_semaphore, #tpu.memory_space<semaphore_mem>>) src(%dma_wait3A_411 : memref<16x50x32xf32, #tpu.memory_space<hbm>>) dst(%arg8 : memref<16x50x32xf32, #tpu.memory_space<vmem>>)
        tpu.yield
      }) : () -> ()
      %dma_wait3A = arith.constant 0 : i32
      %dma_wait3A_203 = arith.constant 0 : i32
      %dma_wait3A_204 = arith.constant 0 : i32
      %dma_wait3A_205 = arith.constant 0 : i32
      %dma_wait3A_206 = tpu.memref_slice %arg7[%dma_wait3A_203, %dma_wait3A_204, %dma_wait3A_205] : memref<16x50x32xf32, #tpu.memory_space<vmem>> -> memref<1x50x32xf32, #tpu.memory_space<vmem>>
      %dma_wait3A_207 = tpu.memref_squeeze %dma_wait3A_206 : memref<1x50x32xf32, #tpu.memory_space<vmem>> -> memref<50x32xf32, #tpu.memory_space<vmem>>
      %dma_wait3A_208 = arith.constant 0 : i32
      %dma_wait3A_209 = tpu.memref_slice %arg6[%dma_wait3A, %dma_wait3A_208] : memref<16x50xi32, #tpu.memory_space<vmem>> -> memref<1x50xi32, #tpu.memory_space<vmem>>
      %dma_wait3A_210 = tpu.memref_squeeze %dma_wait3A_209 : memref<1x50xi32, #tpu.memory_space<vmem>> -> memref<50xi32, #tpu.memory_space<vmem>>
      %dma_wait3A_211 = arith.constant 0 : i32
      %dma_wait3A_212 = arith.constant 0 : i32
      %dma_wait3A_213 = tpu.memref_slice %arg4[%dma_wait3A_211, %dma_wait3A_212] : memref<1000000x32xf32, #tpu.memory_space<hbm>> -> memref<1000000x32xf32, #tpu.memory_space<hbm>>
      tpu.wait_indirect_dma semaphore(%arg10 : memref<!tpu.dma_semaphore, #tpu.memory_space<semaphore_mem>>) src(%dma_wait3A_213 : memref<1000000x32xf32, #tpu.memory_space<hbm>>) dst(%dma_wait3A_207 : memref<50x32xf32, #tpu.memory_space<vmem>>)
      %dma_wait3A_214 = arith.constant 1 : i32
      %dma_wait3A_215 = arith.constant 1 : i32
      %dma_wait3A_216 = arith.constant 0 : i32
      %dma_wait3A_217 = arith.constant 0 : i32
      %dma_wait3A_218 = tpu.memref_slice %arg7[%dma_wait3A_215, %dma_wait3A_216, %dma_wait3A_217] : memref<16x50x32xf32, #tpu.memory_space<vmem>> -> memref<1x50x32xf32, #tpu.memory_space<vmem>>
      %dma_wait3A_219 = tpu.memref_squeeze %dma_wait3A_218 : memref<1x50x32xf32, #tpu.memory_space<vmem>> -> memref<50x32xf32, #tpu.memory_space<vmem>>
      %dma_wait3A_220 = arith.constant 0 : i32
      %dma_wait3A_221 = tpu.memref_slice %arg6[%dma_wait3A_214, %dma_wait3A_220] : memref<16x50xi32, #tpu.memory_space<vmem>> -> memref<1x50xi32, #tpu.memory_space<vmem>>
      %dma_wait3A_222 = tpu.memref_squeeze %dma_wait3A_221 : memref<1x50xi32, #tpu.memory_space<vmem>> -> memref<50xi32, #tpu.memory_space<vmem>>
      %dma_wait3A_223 = arith.constant 0 : i32
      %dma_wait3A_224 = arith.constant 0 : i32
      %dma_wait3A_225 = tpu.memref_slice %arg4[%dma_wait3A_223, %dma_wait3A_224] : memref<1000000x32xf32, #tpu.memory_space<hbm>> -> memref<1000000x32xf32, #tpu.memory_space<hbm>>
      tpu.wait_indirect_dma semaphore(%arg10 : memref<!tpu.dma_semaphore, #tpu.memory_space<semaphore_mem>>) src(%dma_wait3A_225 : memref<1000000x32xf32, #tpu.memory_space<hbm>>) dst(%dma_wait3A_219 : memref<50x32xf32, #tpu.memory_space<vmem>>)
      %dma_wait3A_226 = arith.constant 2 : i32
      %dma_wait3A_227 = arith.constant 2 : i32
      %dma_wait3A_228 = arith.constant 0 : i32
      %dma_wait3A_229 = arith.constant 0 : i32
      %dma_wait3A_230 = tpu.memref_slice %arg7[%dma_wait3A_227, %dma_wait3A_228, %dma_wait3A_229] : memref<16x50x32xf32, #tpu.memory_space<vmem>> -> memref<1x50x32xf32, #tpu.memory_space<vmem>>
      %dma_wait3A_231 = tpu.memref_squeeze %dma_wait3A_230 : memref<1x50x32xf32, #tpu.memory_space<vmem>> -> memref<50x32xf32, #tpu.memory_space<vmem>>
      %dma_wait3A_232 = arith.constant 0 : i32
      %dma_wait3A_233 = tpu.memref_slice %arg6[%dma_wait3A_226, %dma_wait3A_232] : memref<16x50xi32, #tpu.memory_space<vmem>> -> memref<1x50xi32, #tpu.memory_space<vmem>>
      %dma_wait3A_234 = tpu.memref_squeeze %dma_wait3A_233 : memref<1x50xi32, #tpu.memory_space<vmem>> -> memref<50xi32, #tpu.memory_space<vmem>>
      %dma_wait3A_235 = arith.constant 0 : i32
      %dma_wait3A_236 = arith.constant 0 : i32
      %dma_wait3A_237 = tpu.memref_slice %arg4[%dma_wait3A_235, %dma_wait3A_236] : memref<1000000x32xf32, #tpu.memory_space<hbm>> -> memref<1000000x32xf32, #tpu.memory_space<hbm>>
      tpu.wait_indirect_dma semaphore(%arg10 : memref<!tpu.dma_semaphore, #tpu.memory_space<semaphore_mem>>) src(%dma_wait3A_237 : memref<1000000x32xf32, #tpu.memory_space<hbm>>) dst(%dma_wait3A_231 : memref<50x32xf32, #tpu.memory_space<vmem>>)
      %dma_wait3A_238 = arith.constant 3 : i32
      %dma_wait3A_239 = arith.constant 3 : i32
      %dma_wait3A_240 = arith.constant 0 : i32
      %dma_wait3A_241 = arith.constant 0 : i32
      %dma_wait3A_242 = tpu.memref_slice %arg7[%dma_wait3A_239, %dma_wait3A_240, %dma_wait3A_241] : memref<16x50x32xf32, #tpu.memory_space<vmem>> -> memref<1x50x32xf32, #tpu.memory_space<vmem>>
      %dma_wait3A_243 = tpu.memref_squeeze %dma_wait3A_242 : memref<1x50x32xf32, #tpu.memory_space<vmem>> -> memref<50x32xf32, #tpu.memory_space<vmem>>
      %dma_wait3A_244 = arith.constant 0 : i32
      %dma_wait3A_245 = tpu.memref_slice %arg6[%dma_wait3A_238, %dma_wait3A_244] : memref<16x50xi32, #tpu.memory_space<vmem>> -> memref<1x50xi32, #tpu.memory_space<vmem>>
      %dma_wait3A_246 = tpu.memref_squeeze %dma_wait3A_245 : memref<1x50xi32, #tpu.memory_space<vmem>> -> memref<50xi32, #tpu.memory_space<vmem>>
      %dma_wait3A_247 = arith.constant 0 : i32
      %dma_wait3A_248 = arith.constant 0 : i32
      %dma_wait3A_249 = tpu.memref_slice %arg4[%dma_wait3A_247, %dma_wait3A_248] : memref<1000000x32xf32, #tpu.memory_space<hbm>> -> memref<1000000x32xf32, #tpu.memory_space<hbm>>
      tpu.wait_indirect_dma semaphore(%arg10 : memref<!tpu.dma_semaphore, #tpu.memory_space<semaphore_mem>>) src(%dma_wait3A_249 : memref<1000000x32xf32, #tpu.memory_space<hbm>>) dst(%dma_wait3A_243 : memref<50x32xf32, #tpu.memory_space<vmem>>)
      %dma_wait3A_250 = arith.constant 4 : i32
      %dma_wait3A_251 = arith.constant 4 : i32
      %dma_wait3A_252 = arith.constant 0 : i32
      %dma_wait3A_253 = arith.constant 0 : i32
      %dma_wait3A_254 = tpu.memref_slice %arg7[%dma_wait3A_251, %dma_wait3A_252, %dma_wait3A_253] : memref<16x50x32xf32, #tpu.memory_space<vmem>> -> memref<1x50x32xf32, #tpu.memory_space<vmem>>
      %dma_wait3A_255 = tpu.memref_squeeze %dma_wait3A_254 : memref<1x50x32xf32, #tpu.memory_space<vmem>> -> memref<50x32xf32, #tpu.memory_space<vmem>>
      %dma_wait3A_256 = arith.constant 0 : i32
      %dma_wait3A_257 = tpu.memref_slice %arg6[%dma_wait3A_250, %dma_wait3A_256] : memref<16x50xi32, #tpu.memory_space<vmem>> -> memref<1x50xi32, #tpu.memory_space<vmem>>
      %dma_wait3A_258 = tpu.memref_squeeze %dma_wait3A_257 : memref<1x50xi32, #tpu.memory_space<vmem>> -> memref<50xi32, #tpu.memory_space<vmem>>
      %dma_wait3A_259 = arith.constant 0 : i32
      %dma_wait3A_260 = arith.constant 0 : i32
      %dma_wait3A_261 = tpu.memref_slice %arg4[%dma_wait3A_259, %dma_wait3A_260] : memref<1000000x32xf32, #tpu.memory_space<hbm>> -> memref<1000000x32xf32, #tpu.memory_space<hbm>>
      tpu.wait_indirect_dma semaphore(%arg10 : memref<!tpu.dma_semaphore, #tpu.memory_space<semaphore_mem>>) src(%dma_wait3A_261 : memref<1000000x32xf32, #tpu.memory_space<hbm>>) dst(%dma_wait3A_255 : memref<50x32xf32, #tpu.memory_space<vmem>>)
      %dma_wait3A_262 = arith.constant 5 : i32
      %dma_wait3A_263 = arith.constant 5 : i32
      %dma_wait3A_264 = arith.constant 0 : i32
      %dma_wait3A_265 = arith.constant 0 : i32
      %dma_wait3A_266 = tpu.memref_slice %arg7[%dma_wait3A_263, %dma_wait3A_264, %dma_wait3A_265] : memref<16x50x32xf32, #tpu.memory_space<vmem>> -> memref<1x50x32xf32, #tpu.memory_space<vmem>>
      %dma_wait3A_267 = tpu.memref_squeeze %dma_wait3A_266 : memref<1x50x32xf32, #tpu.memory_space<vmem>> -> memref<50x32xf32, #tpu.memory_space<vmem>>
      %dma_wait3A_268 = arith.constant 0 : i32
      %dma_wait3A_269 = tpu.memref_slice %arg6[%dma_wait3A_262, %dma_wait3A_268] : memref<16x50xi32, #tpu.memory_space<vmem>> -> memref<1x50xi32, #tpu.memory_space<vmem>>
      %dma_wait3A_270 = tpu.memref_squeeze %dma_wait3A_269 : memref<1x50xi32, #tpu.memory_space<vmem>> -> memref<50xi32, #tpu.memory_space<vmem>>
      %dma_wait3A_271 = arith.constant 0 : i32
      %dma_wait3A_272 = arith.constant 0 : i32
      %dma_wait3A_273 = tpu.memref_slice %arg4[%dma_wait3A_271, %dma_wait3A_272] : memref<1000000x32xf32, #tpu.memory_space<hbm>> -> memref<1000000x32xf32, #tpu.memory_space<hbm>>
      tpu.wait_indirect_dma semaphore(%arg10 : memref<!tpu.dma_semaphore, #tpu.memory_space<semaphore_mem>>) src(%dma_wait3A_273 : memref<1000000x32xf32, #tpu.memory_space<hbm>>) dst(%dma_wait3A_267 : memref<50x32xf32, #tpu.memory_space<vmem>>)
      %dma_wait3A_274 = arith.constant 6 : i32
      %dma_wait3A_275 = arith.constant 6 : i32
      %dma_wait3A_276 = arith.constant 0 : i32
      %dma_wait3A_277 = arith.constant 0 : i32
      %dma_wait3A_278 = tpu.memref_slice %arg7[%dma_wait3A_275, %dma_wait3A_276, %dma_wait3A_277] : memref<16x50x32xf32, #tpu.memory_space<vmem>> -> memref<1x50x32xf32, #tpu.memory_space<vmem>>
      %dma_wait3A_279 = tpu.memref_squeeze %dma_wait3A_278 : memref<1x50x32xf32, #tpu.memory_space<vmem>> -> memref<50x32xf32, #tpu.memory_space<vmem>>
      %dma_wait3A_280 = arith.constant 0 : i32
      %dma_wait3A_281 = tpu.memref_slice %arg6[%dma_wait3A_274, %dma_wait3A_280] : memref<16x50xi32, #tpu.memory_space<vmem>> -> memref<1x50xi32, #tpu.memory_space<vmem>>
      %dma_wait3A_282 = tpu.memref_squeeze %dma_wait3A_281 : memref<1x50xi32, #tpu.memory_space<vmem>> -> memref<50xi32, #tpu.memory_space<vmem>>
      %dma_wait3A_283 = arith.constant 0 : i32
      %dma_wait3A_284 = arith.constant 0 : i32
      %dma_wait3A_285 = tpu.memref_slice %arg4[%dma_wait3A_283, %dma_wait3A_284] : memref<1000000x32xf32, #tpu.memory_space<hbm>> -> memref<1000000x32xf32, #tpu.memory_space<hbm>>
      tpu.wait_indirect_dma semaphore(%arg10 : memref<!tpu.dma_semaphore, #tpu.memory_space<semaphore_mem>>) src(%dma_wait3A_285 : memref<1000000x32xf32, #tpu.memory_space<hbm>>) dst(%dma_wait3A_279 : memref<50x32xf32, #tpu.memory_space<vmem>>)
      %dma_wait3A_286 = arith.constant 7 : i32
      %dma_wait3A_287 = arith.constant 7 : i32
      %dma_wait3A_288 = arith.constant 0 : i32
      %dma_wait3A_289 = arith.constant 0 : i32
      %dma_wait3A_290 = tpu.memref_slice %arg7[%dma_wait3A_287, %dma_wait3A_288, %dma_wait3A_289] : memref<16x50x32xf32, #tpu.memory_space<vmem>> -> memref<1x50x32xf32, #tpu.memory_space<vmem>>
      %dma_wait3A_291 = tpu.memref_squeeze %dma_wait3A_290 : memref<1x50x32xf32, #tpu.memory_space<vmem>> -> memref<50x32xf32, #tpu.memory_space<vmem>>
      %dma_wait3A_292 = arith.constant 0 : i32
      %dma_wait3A_293 = tpu.memref_slice %arg6[%dma_wait3A_286, %dma_wait3A_292] : memref<16x50xi32, #tpu.memory_space<vmem>> -> memref<1x50xi32, #tpu.memory_space<vmem>>
      %dma_wait3A_294 = tpu.memref_squeeze %dma_wait3A_293 : memref<1x50xi32, #tpu.memory_space<vmem>> -> memref<50xi32, #tpu.memory_space<vmem>>
      %dma_wait3A_295 = arith.constant 0 : i32
      %dma_wait3A_296 = arith.constant 0 : i32
      %dma_wait3A_297 = tpu.memref_slice %arg4[%dma_wait3A_295, %dma_wait3A_296] : memref<1000000x32xf32, #tpu.memory_space<hbm>> -> memref<1000000x32xf32, #tpu.memory_space<hbm>>
      tpu.wait_indirect_dma semaphore(%arg10 : memref<!tpu.dma_semaphore, #tpu.memory_space<semaphore_mem>>) src(%dma_wait3A_297 : memref<1000000x32xf32, #tpu.memory_space<hbm>>) dst(%dma_wait3A_291 : memref<50x32xf32, #tpu.memory_space<vmem>>)
      %dma_wait3A_298 = arith.constant 8 : i32
      %dma_wait3A_299 = arith.constant 8 : i32
      %dma_wait3A_300 = arith.constant 0 : i32
      %dma_wait3A_301 = arith.constant 0 : i32
      %dma_wait3A_302 = tpu.memref_slice %arg7[%dma_wait3A_299, %dma_wait3A_300, %dma_wait3A_301] : memref<16x50x32xf32, #tpu.memory_space<vmem>> -> memref<1x50x32xf32, #tpu.memory_space<vmem>>
      %dma_wait3A_303 = tpu.memref_squeeze %dma_wait3A_302 : memref<1x50x32xf32, #tpu.memory_space<vmem>> -> memref<50x32xf32, #tpu.memory_space<vmem>>
      %dma_wait3A_304 = arith.constant 0 : i32
      %dma_wait3A_305 = tpu.memref_slice %arg6[%dma_wait3A_298, %dma_wait3A_304] : memref<16x50xi32, #tpu.memory_space<vmem>> -> memref<1x50xi32, #tpu.memory_space<vmem>>
      %dma_wait3A_306 = tpu.memref_squeeze %dma_wait3A_305 : memref<1x50xi32, #tpu.memory_space<vmem>> -> memref<50xi32, #tpu.memory_space<vmem>>
      %dma_wait3A_307 = arith.constant 0 : i32
      %dma_wait3A_308 = arith.constant 0 : i32
      %dma_wait3A_309 = tpu.memref_slice %arg4[%dma_wait3A_307, %dma_wait3A_308] : memref<1000000x32xf32, #tpu.memory_space<hbm>> -> memref<1000000x32xf32, #tpu.memory_space<hbm>>
      tpu.wait_indirect_dma semaphore(%arg10 : memref<!tpu.dma_semaphore, #tpu.memory_space<semaphore_mem>>) src(%dma_wait3A_309 : memref<1000000x32xf32, #tpu.memory_space<hbm>>) dst(%dma_wait3A_303 : memref<50x32xf32, #tpu.memory_space<vmem>>)
      %dma_wait3A_310 = arith.constant 9 : i32
      %dma_wait3A_311 = arith.constant 9 : i32
      %dma_wait3A_312 = arith.constant 0 : i32
      %dma_wait3A_313 = arith.constant 0 : i32
      %dma_wait3A_314 = tpu.memref_slice %arg7[%dma_wait3A_311, %dma_wait3A_312, %dma_wait3A_313] : memref<16x50x32xf32, #tpu.memory_space<vmem>> -> memref<1x50x32xf32, #tpu.memory_space<vmem>>
      %dma_wait3A_315 = tpu.memref_squeeze %dma_wait3A_314 : memref<1x50x32xf32, #tpu.memory_space<vmem>> -> memref<50x32xf32, #tpu.memory_space<vmem>>
      %dma_wait3A_316 = arith.constant 0 : i32
      %dma_wait3A_317 = tpu.memref_slice %arg6[%dma_wait3A_310, %dma_wait3A_316] : memref<16x50xi32, #tpu.memory_space<vmem>> -> memref<1x50xi32, #tpu.memory_space<vmem>>
      %dma_wait3A_318 = tpu.memref_squeeze %dma_wait3A_317 : memref<1x50xi32, #tpu.memory_space<vmem>> -> memref<50xi32, #tpu.memory_space<vmem>>
      %dma_wait3A_319 = arith.constant 0 : i32
      %dma_wait3A_320 = arith.constant 0 : i32
      %dma_wait3A_321 = tpu.memref_slice %arg4[%dma_wait3A_319, %dma_wait3A_320] : memref<1000000x32xf32, #tpu.memory_space<hbm>> -> memref<1000000x32xf32, #tpu.memory_space<hbm>>
      tpu.wait_indirect_dma semaphore(%arg10 : memref<!tpu.dma_semaphore, #tpu.memory_space<semaphore_mem>>) src(%dma_wait3A_321 : memref<1000000x32xf32, #tpu.memory_space<hbm>>) dst(%dma_wait3A_315 : memref<50x32xf32, #tpu.memory_space<vmem>>)
      %dma_wait3A_322 = arith.constant 10 : i32
      %dma_wait3A_323 = arith.constant 10 : i32
      %dma_wait3A_324 = arith.constant 0 : i32
      %dma_wait3A_325 = arith.constant 0 : i32
      %dma_wait3A_326 = tpu.memref_slice %arg7[%dma_wait3A_323, %dma_wait3A_324, %dma_wait3A_325] : memref<16x50x32xf32, #tpu.memory_space<vmem>> -> memref<1x50x32xf32, #tpu.memory_space<vmem>>
      %dma_wait3A_327 = tpu.memref_squeeze %dma_wait3A_326 : memref<1x50x32xf32, #tpu.memory_space<vmem>> -> memref<50x32xf32, #tpu.memory_space<vmem>>
      %dma_wait3A_328 = arith.constant 0 : i32
      %dma_wait3A_329 = tpu.memref_slice %arg6[%dma_wait3A_322, %dma_wait3A_328] : memref<16x50xi32, #tpu.memory_space<vmem>> -> memref<1x50xi32, #tpu.memory_space<vmem>>
      %dma_wait3A_330 = tpu.memref_squeeze %dma_wait3A_329 : memref<1x50xi32, #tpu.memory_space<vmem>> -> memref<50xi32, #tpu.memory_space<vmem>>
      %dma_wait3A_331 = arith.constant 0 : i32
      %dma_wait3A_332 = arith.constant 0 : i32
      %dma_wait3A_333 = tpu.memref_slice %arg4[%dma_wait3A_331, %dma_wait3A_332] : memref<1000000x32xf32, #tpu.memory_space<hbm>> -> memref<1000000x32xf32, #tpu.memory_space<hbm>>
      tpu.wait_indirect_dma semaphore(%arg10 : memref<!tpu.dma_semaphore, #tpu.memory_space<semaphore_mem>>) src(%dma_wait3A_333 : memref<1000000x32xf32, #tpu.memory_space<hbm>>) dst(%dma_wait3A_327 : memref<50x32xf32, #tpu.memory_space<vmem>>)
      %dma_wait3A_334 = arith.constant 11 : i32
      %dma_wait3A_335 = arith.constant 11 : i32
      %dma_wait3A_336 = arith.constant 0 : i32
      %dma_wait3A_337 = arith.constant 0 : i32
      %dma_wait3A_338 = tpu.memref_slice %arg7[%dma_wait3A_335, %dma_wait3A_336, %dma_wait3A_337] : memref<16x50x32xf32, #tpu.memory_space<vmem>> -> memref<1x50x32xf32, #tpu.memory_space<vmem>>
      %dma_wait3A_339 = tpu.memref_squeeze %dma_wait3A_338 : memref<1x50x32xf32, #tpu.memory_space<vmem>> -> memref<50x32xf32, #tpu.memory_space<vmem>>
      %dma_wait3A_340 = arith.constant 0 : i32
      %dma_wait3A_341 = tpu.memref_slice %arg6[%dma_wait3A_334, %dma_wait3A_340] : memref<16x50xi32, #tpu.memory_space<vmem>> -> memref<1x50xi32, #tpu.memory_space<vmem>>
      %dma_wait3A_342 = tpu.memref_squeeze %dma_wait3A_341 : memref<1x50xi32, #tpu.memory_space<vmem>> -> memref<50xi32, #tpu.memory_space<vmem>>
      %dma_wait3A_343 = arith.constant 0 : i32
      %dma_wait3A_344 = arith.constant 0 : i32
      %dma_wait3A_345 = tpu.memref_slice %arg4[%dma_wait3A_343, %dma_wait3A_344] : memref<1000000x32xf32, #tpu.memory_space<hbm>> -> memref<1000000x32xf32, #tpu.memory_space<hbm>>
      tpu.wait_indirect_dma semaphore(%arg10 : memref<!tpu.dma_semaphore, #tpu.memory_space<semaphore_mem>>) src(%dma_wait3A_345 : memref<1000000x32xf32, #tpu.memory_space<hbm>>) dst(%dma_wait3A_339 : memref<50x32xf32, #tpu.memory_space<vmem>>)
      %dma_wait3A_346 = arith.constant 12 : i32
      %dma_wait3A_347 = arith.constant 12 : i32
      %dma_wait3A_348 = arith.constant 0 : i32
      %dma_wait3A_349 = arith.constant 0 : i32
      %dma_wait3A_350 = tpu.memref_slice %arg7[%dma_wait3A_347, %dma_wait3A_348, %dma_wait3A_349] : memref<16x50x32xf32, #tpu.memory_space<vmem>> -> memref<1x50x32xf32, #tpu.memory_space<vmem>>
      %dma_wait3A_351 = tpu.memref_squeeze %dma_wait3A_350 : memref<1x50x32xf32, #tpu.memory_space<vmem>> -> memref<50x32xf32, #tpu.memory_space<vmem>>
      %dma_wait3A_352 = arith.constant 0 : i32
      %dma_wait3A_353 = tpu.memref_slice %arg6[%dma_wait3A_346, %dma_wait3A_352] : memref<16x50xi32, #tpu.memory_space<vmem>> -> memref<1x50xi32, #tpu.memory_space<vmem>>
      %dma_wait3A_354 = tpu.memref_squeeze %dma_wait3A_353 : memref<1x50xi32, #tpu.memory_space<vmem>> -> memref<50xi32, #tpu.memory_space<vmem>>
      %dma_wait3A_355 = arith.constant 0 : i32
      %dma_wait3A_356 = arith.constant 0 : i32
      %dma_wait3A_357 = tpu.memref_slice %arg4[%dma_wait3A_355, %dma_wait3A_356] : memref<1000000x32xf32, #tpu.memory_space<hbm>> -> memref<1000000x32xf32, #tpu.memory_space<hbm>>
      tpu.wait_indirect_dma semaphore(%arg10 : memref<!tpu.dma_semaphore, #tpu.memory_space<semaphore_mem>>) src(%dma_wait3A_357 : memref<1000000x32xf32, #tpu.memory_space<hbm>>) dst(%dma_wait3A_351 : memref<50x32xf32, #tpu.memory_space<vmem>>)
      %dma_wait3A_358 = arith.constant 13 : i32
      %dma_wait3A_359 = arith.constant 13 : i32
      %dma_wait3A_360 = arith.constant 0 : i32
      %dma_wait3A_361 = arith.constant 0 : i32
      %dma_wait3A_362 = tpu.memref_slice %arg7[%dma_wait3A_359, %dma_wait3A_360, %dma_wait3A_361] : memref<16x50x32xf32, #tpu.memory_space<vmem>> -> memref<1x50x32xf32, #tpu.memory_space<vmem>>
      %dma_wait3A_363 = tpu.memref_squeeze %dma_wait3A_362 : memref<1x50x32xf32, #tpu.memory_space<vmem>> -> memref<50x32xf32, #tpu.memory_space<vmem>>
      %dma_wait3A_364 = arith.constant 0 : i32
      %dma_wait3A_365 = tpu.memref_slice %arg6[%dma_wait3A_358, %dma_wait3A_364] : memref<16x50xi32, #tpu.memory_space<vmem>> -> memref<1x50xi32, #tpu.memory_space<vmem>>
      %dma_wait3A_366 = tpu.memref_squeeze %dma_wait3A_365 : memref<1x50xi32, #tpu.memory_space<vmem>> -> memref<50xi32, #tpu.memory_space<vmem>>
      %dma_wait3A_367 = arith.constant 0 : i32
      %dma_wait3A_368 = arith.constant 0 : i32
      %dma_wait3A_369 = tpu.memref_slice %arg4[%dma_wait3A_367, %dma_wait3A_368] : memref<1000000x32xf32, #tpu.memory_space<hbm>> -> memref<1000000x32xf32, #tpu.memory_space<hbm>>
      tpu.wait_indirect_dma semaphore(%arg10 : memref<!tpu.dma_semaphore, #tpu.memory_space<semaphore_mem>>) src(%dma_wait3A_369 : memref<1000000x32xf32, #tpu.memory_space<hbm>>) dst(%dma_wait3A_363 : memref<50x32xf32, #tpu.memory_space<vmem>>)
      %dma_wait3A_370 = arith.constant 14 : i32
      %dma_wait3A_371 = arith.constant 14 : i32
      %dma_wait3A_372 = arith.constant 0 : i32
      %dma_wait3A_373 = arith.constant 0 : i32
      %dma_wait3A_374 = tpu.memref_slice %arg7[%dma_wait3A_371, %dma_wait3A_372, %dma_wait3A_373] : memref<16x50x32xf32, #tpu.memory_space<vmem>> -> memref<1x50x32xf32, #tpu.memory_space<vmem>>
      %dma_wait3A_375 = tpu.memref_squeeze %dma_wait3A_374 : memref<1x50x32xf32, #tpu.memory_space<vmem>> -> memref<50x32xf32, #tpu.memory_space<vmem>>
      %dma_wait3A_376 = arith.constant 0 : i32
      %dma_wait3A_377 = tpu.memref_slice %arg6[%dma_wait3A_370, %dma_wait3A_376] : memref<16x50xi32, #tpu.memory_space<vmem>> -> memref<1x50xi32, #tpu.memory_space<vmem>>
      %dma_wait3A_378 = tpu.memref_squeeze %dma_wait3A_377 : memref<1x50xi32, #tpu.memory_space<vmem>> -> memref<50xi32, #tpu.memory_space<vmem>>
      %dma_wait3A_379 = arith.constant 0 : i32
      %dma_wait3A_380 = arith.constant 0 : i32
      %dma_wait3A_381 = tpu.memref_slice %arg4[%dma_wait3A_379, %dma_wait3A_380] : memref<1000000x32xf32, #tpu.memory_space<hbm>> -> memref<1000000x32xf32, #tpu.memory_space<hbm>>
      tpu.wait_indirect_dma semaphore(%arg10 : memref<!tpu.dma_semaphore, #tpu.memory_space<semaphore_mem>>) src(%dma_wait3A_381 : memref<1000000x32xf32, #tpu.memory_space<hbm>>) dst(%dma_wait3A_375 : memref<50x32xf32, #tpu.memory_space<vmem>>)
      %dma_wait3A_382 = arith.constant 15 : i32
      %dma_wait3A_383 = arith.constant 15 : i32
      %dma_wait3A_384 = arith.constant 0 : i32
      %dma_wait3A_385 = arith.constant 0 : i32
      %dma_wait3A_386 = tpu.memref_slice %arg7[%dma_wait3A_383, %dma_wait3A_384, %dma_wait3A_385] : memref<16x50x32xf32, #tpu.memory_space<vmem>> -> memref<1x50x32xf32, #tpu.memory_space<vmem>>
      %dma_wait3A_387 = tpu.memref_squeeze %dma_wait3A_386 : memref<1x50x32xf32, #tpu.memory_space<vmem>> -> memref<50x32xf32, #tpu.memory_space<vmem>>
      %dma_wait3A_388 = arith.constant 0 : i32
      %dma_wait3A_389 = tpu.memref_slice %arg6[%dma_wait3A_382, %dma_wait3A_388] : memref<16x50xi32, #tpu.memory_space<vmem>> -> memref<1x50xi32, #tpu.memory_space<vmem>>
      %dma_wait3A_390 = tpu.memref_squeeze %dma_wait3A_389 : memref<1x50xi32, #tpu.memory_space<vmem>> -> memref<50xi32, #tpu.memory_space<vmem>>
      %dma_wait3A_391 = arith.constant 0 : i32
      %dma_wait3A_392 = arith.constant 0 : i32
      %dma_wait3A_393 = tpu.memref_slice %arg4[%dma_wait3A_391, %dma_wait3A_392] : memref<1000000x32xf32, #tpu.memory_space<hbm>> -> memref<1000000x32xf32, #tpu.memory_space<hbm>>
      tpu.wait_indirect_dma semaphore(%arg10 : memref<!tpu.dma_semaphore, #tpu.memory_space<semaphore_mem>>) src(%dma_wait3A_393 : memref<1000000x32xf32, #tpu.memory_space<hbm>>) dst(%dma_wait3A_387 : memref<50x32xf32, #tpu.memory_space<vmem>>)
      %scan3A_394 = arith.constant 0 : i32
      %scan3A_395 = arith.constant 0 : i32
      %scan3A_396 = arith.constant 16 : i32
      %scan3A_397 = arith.addi %scan3A_395, %scan3A_396 : i32
      %scan3A_398 = arith.constant 1 : i32
      scf.for %scan3A_400 = %scan3A_395 to %scan3A_397 step %scan3A_398  : i32 {
        %scan3A_401 = arith.constant 0 : i32
        %scan3A_402 = arith.constant 50 : i32
        %scan3A_403 = arith.addi %scan3A_401, %scan3A_402 : i32
        %scan3A_404 = arith.constant 5 : i32
        scf.for %scan3A_406 = %scan3A_401 to %scan3A_403 step %scan3A_404  : i32 {
          %get3A = arith.index_cast %scan3A_400 : i32 to index
          %get3A_407 = arith.index_cast %scan3A_406 : i32 to index
          %get3A_408 = arith.constant 0 : index
          %get3A_409 = tpu.vector_load %arg8[%get3A, %get3A_407, %get3A_408] {strides = array<i32>} : memref<16x50x32xf32, #tpu.memory_space<vmem>>, vector<1x1x16xf32>,
          %get3A_410 = vector.shape_cast %get3A_409 : vector<1x1x16xf32> to vector<16xf32>
          %ge3A = arith.constant 1.000000e-01 : f32
          %ge3A_411 = vector.broadcast %ge3A : f32 to vector<16xf32>
          %ge3A_412 = arith.cmpf oge, %get3A_410, %ge3A_411 : vector<16xf32>
          %jit3A = arith.constant 1.11111116 : f32
          %jit3A_413 = arith.constant 0.000000e+00 : f32
          %broadcast_in_dim3A = vector.broadcast %jit3A : f32 to vector<16xf32>
          %broadcast_in_dim3A_414 = vector.broadcast %jit3A_413 : f32 to vector<16xf32>
          %select_n3A = arith.select %ge3A_412, %broadcast_in_dim3A, %broadcast_in_dim3A_414 : vector<16xi1>, vector<16xf32>
          %get3A_415 = arith.index_cast %scan3A_400 : i32 to index
          %get3A_416 = arith.index_cast %scan3A_406 : i32 to index
          %get3A_417 = arith.constant 0 : index
          %get3A_418 = tpu.vector_load %arg7[%get3A_415, %get3A_416, %get3A_417] {strides = array<i32>} : memref<16x50x32xf32, #tpu.memory_space<vmem>>, vector<1x1x16xf32>,
          %get3A_419 = vector.shape_cast %get3A_418 : vector<1x1x16xf32> to vector<16xf32>
          %mul3A_420 = arith.mulf %get3A_419, %select_n3A : vector<16xf32>
          %swap3A = arith.index_cast %scan3A_400 : i32 to index
          %swap3A_421 = arith.index_cast %scan3A_406 : i32 to index
          %swap3A_422 = arith.constant 0 : index
          %swap3A_423 = tpu.vector_load %arg9[%swap3A, %swap3A_421, %swap3A_422] {strides = array<i32>} : memref<16x50x32xf32, #tpu.memory_space<vmem>>, vector<1x1x16xf32>,
          %swap3A_424 = vector.shape_cast %swap3A_423 : vector<1x1x16xf32> to vector<16xf32>
          %swap3A_425 = vector.shape_cast %mul3A_420 : vector<16xf32> to vector<1x1x16xf32>
          tpu.vector_store %arg9[%swap3A, %swap3A_421, %swap3A_422], %swap3A_425 {strides = array<i32>} : memref<16x50x32xf32, #tpu.memory_space<vmem>>, vector<1x1x16xf32>,
          %get3A_426 = arith.index_cast %scan3A_400 : i32 to index
          %get3A_427 = arith.index_cast %scan3A_406 : i32 to index
          %get3A_428 = arith.constant 16 : index
          %get3A_429 = tpu.vector_load %arg8[%get3A_426, %get3A_427, %get3A_428] {strides = array<i32>} : memref<16x50x32xf32, #tpu.memory_space<vmem>>, vector<1x1x16xf32>,
          %get3A_430 = vector.shape_cast %get3A_429 : vector<1x1x16xf32> to vector<16xf32>
          %ge3A_431 = arith.constant 1.000000e-01 : f32
          %ge3A_432 = vector.broadcast %ge3A_431 : f32 to vector<16xf32>
          %ge3A_433 = arith.cmpf oge, %get3A_430, %ge3A_432 : vector<16xf32>
          %jit3A_434 = arith.constant 1.11111116 : f32
          %jit3A_435 = arith.constant 0.000000e+00 : f32
          %broadcast_in_dim3A_436 = vector.broadcast %jit3A_434 : f32 to vector<16xf32>
          %broadcast_in_dim3A_437 = vector.broadcast %jit3A_435 : f32 to vector<16xf32>
          %select_n3A_438 = arith.select %ge3A_433, %broadcast_in_dim3A_436, %broadcast_in_dim3A_437 : vector<16xi1>, vector<16xf32>
          %get3A_439 = arith.index_cast %scan3A_400 : i32 to index
          %get3A_440 = arith.index_cast %scan3A_406 : i32 to index
          %get3A_441 = arith.constant 16 : index
          %get3A_442 = tpu.vector_load %arg7[%get3A_439, %get3A_440, %get3A_441] {strides = array<i32>} : memref<16x50x32xf32, #tpu.memory_space<vmem>>, vector<1x1x16xf32>,
          %get3A_443 = vector.shape_cast %get3A_442 : vector<1x1x16xf32> to vector<16xf32>
          %mul3A_444 = arith.mulf %get3A_443, %select_n3A_438 : vector<16xf32>
          %swap3A_445 = arith.index_cast %scan3A_400 : i32 to index
          %swap3A_446 = arith.index_cast %scan3A_406 : i32 to index
          %swap3A_447 = arith.constant 16 : index
          %swap3A_448 = tpu.vector_load %arg9[%swap3A_445, %swap3A_446, %swap3A_447] {strides = array<i32>} : memref<16x50x32xf32, #tpu.memory_space<vmem>>, vector<1x1x16xf32>,
          %swap3A_449 = vector.shape_cast %swap3A_448 : vector<1x1x16xf32> to vector<16xf32>
          %swap3A_450 = vector.shape_cast %mul3A_444 : vector<16xf32> to vector<1x1x16xf32>
          tpu.vector_store %arg9[%swap3A_445, %swap3A_446, %swap3A_447], %swap3A_450 {strides = array<i32>} : memref<16x50x32xf32, #tpu.memory_space<vmem>>, vector<1x1x16xf32>,
          %scan3A_451 = arith.constant 1 : i32
          %scan3A_452 = arith.addi %scan3A_406, %scan3A_451 : i32
          %get3A_453 = arith.index_cast %scan3A_400 : i32 to index
          %get3A_454 = arith.index_cast %scan3A_452 : i32 to index
          %get3A_455 = arith.constant 0 : index
          %get3A_456 = tpu.vector_load %arg8[%get3A_453, %get3A_454, %get3A_455] {strides = array<i32>} : memref<16x50x32xf32, #tpu.memory_space<vmem>>, vector<1x1x16xf32>,
          %get3A_457 = vector.shape_cast %get3A_456 : vector<1x1x16xf32> to vector<16xf32>
          %ge3A_458 = arith.constant 1.000000e-01 : f32
          %ge3A_459 = vector.broadcast %ge3A_458 : f32 to vector<16xf32>
          %ge3A_460 = arith.cmpf oge, %get3A_457, %ge3A_459 : vector<16xf32>
          %jit3A_461 = arith.constant 1.11111116 : f32
          %jit3A_462 = arith.constant 0.000000e+00 : f32
          %broadcast_in_dim3A_463 = vector.broadcast %jit3A_461 : f32 to vector<16xf32>
          %broadcast_in_dim3A_464 = vector.broadcast %jit3A_462 : f32 to vector<16xf32>
          %select_n3A_465 = arith.select %ge3A_460, %broadcast_in_dim3A_463, %broadcast_in_dim3A_464 : vector<16xi1>, vector<16xf32>
          %get3A_466 = arith.index_cast %scan3A_400 : i32 to index
          %get3A_467 = arith.index_cast %scan3A_452 : i32 to index
          %get3A_468 = arith.constant 0 : index
          %get3A_469 = tpu.vector_load %arg7[%get3A_466, %get3A_467, %get3A_468] {strides = array<i32>} : memref<16x50x32xf32, #tpu.memory_space<vmem>>, vector<1x1x16xf32>,
          %get3A_470 = vector.shape_cast %get3A_469 : vector<1x1x16xf32> to vector<16xf32>
          %mul3A_471 = arith.mulf %get3A_470, %select_n3A_465 : vector<16xf32>
          %swap3A_472 = arith.index_cast %scan3A_400 : i32 to index
          %swap3A_473 = arith.index_cast %scan3A_452 : i32 to index
          %swap3A_474 = arith.constant 0 : index
          %swap3A_475 = tpu.vector_load %arg9[%swap3A_472, %swap3A_473, %swap3A_474] {strides = array<i32>} : memref<16x50x32xf32, #tpu.memory_space<vmem>>, vector<1x1x16xf32>,
          %swap3A_476 = vector.shape_cast %swap3A_475 : vector<1x1x16xf32> to vector<16xf32>
          %swap3A_477 = vector.shape_cast %mul3A_471 : vector<16xf32> to vector<1x1x16xf32>
          tpu.vector_store %arg9[%swap3A_472, %swap3A_473, %swap3A_474], %swap3A_477 {strides = array<i32>} : memref<16x50x32xf32, #tpu.memory_space<vmem>>, vector<1x1x16xf32>,
          %get3A_478 = arith.index_cast %scan3A_400 : i32 to index
          %get3A_479 = arith.index_cast %scan3A_452 : i32 to index
          %get3A_480 = arith.constant 16 : index
          %get3A_481 = tpu.vector_load %arg8[%get3A_478, %get3A_479, %get3A_480] {strides = array<i32>} : memref<16x50x32xf32, #tpu.memory_space<vmem>>, vector<1x1x16xf32>,
          %get3A_482 = vector.shape_cast %get3A_481 : vector<1x1x16xf32> to vector<16xf32>
          %ge3A_483 = arith.constant 1.000000e-01 : f32
          %ge3A_484 = vector.broadcast %ge3A_483 : f32 to vector<16xf32>
          %ge3A_485 = arith.cmpf oge, %get3A_482, %ge3A_484 : vector<16xf32>
          %jit3A_486 = arith.constant 1.11111116 : f32
          %jit3A_487 = arith.constant 0.000000e+00 : f32
          %broadcast_in_dim3A_488 = vector.broadcast %jit3A_486 : f32 to vector<16xf32>
          %broadcast_in_dim3A_489 = vector.broadcast %jit3A_487 : f32 to vector<16xf32>
          %select_n3A_490 = arith.select %ge3A_485, %broadcast_in_dim3A_488, %broadcast_in_dim3A_489 : vector<16xi1>, vector<16xf32>
          %get3A_491 = arith.index_cast %scan3A_400 : i32 to index
          %get3A_492 = arith.index_cast %scan3A_452 : i32 to index
          %get3A_493 = arith.constant 16 : index
          %get3A_494 = tpu.vector_load %arg7[%get3A_491, %get3A_492, %get3A_493] {strides = array<i32>} : memref<16x50x32xf32, #tpu.memory_space<vmem>>, vector<1x1x16xf32>,
          %get3A_495 = vector.shape_cast %get3A_494 : vector<1x1x16xf32> to vector<16xf32>
          %mul3A_496 = arith.mulf %get3A_495, %select_n3A_490 : vector<16xf32>
          %swap3A_497 = arith.index_cast %scan3A_400 : i32 to index
          %swap3A_498 = arith.index_cast %scan3A_452 : i32 to index
          %swap3A_499 = arith.constant 16 : index
          %swap3A_500 = tpu.vector_load %arg9[%swap3A_497, %swap3A_498, %swap3A_499] {strides = array<i32>} : memref<16x50x32xf32, #tpu.memory_space<vmem>>, vector<1x1x16xf32>,
          %swap3A_501 = vector.shape_cast %swap3A_500 : vector<1x1x16xf32> to vector<16xf32>
          %swap3A_502 = vector.shape_cast %mul3A_496 : vector<16xf32> to vector<1x1x16xf32>
          tpu.vector_store %arg9[%swap3A_497, %swap3A_498, %swap3A_499], %swap3A_502 {strides = array<i32>} : memref<16x50x32xf32, #tpu.memory_space<vmem>>, vector<1x1x16xf32>,
          %scan3A_503 = arith.constant 2 : i32
          %scan3A_504 = arith.addi %scan3A_406, %scan3A_503 : i32
          %get3A_505 = arith.index_cast %scan3A_400 : i32 to index
          %get3A_506 = arith.index_cast %scan3A_504 : i32 to index
          %get3A_507 = arith.constant 0 : index
          %get3A_508 = tpu.vector_load %arg8[%get3A_505, %get3A_506, %get3A_507] {strides = array<i32>} : memref<16x50x32xf32, #tpu.memory_space<vmem>>, vector<1x1x16xf32>,
          %get3A_509 = vector.shape_cast %get3A_508 : vector<1x1x16xf32> to vector<16xf32>
          %ge3A_510 = arith.constant 1.000000e-01 : f32
          %ge3A_511 = vector.broadcast %ge3A_510 : f32 to vector<16xf32>
          %ge3A_512 = arith.cmpf oge, %get3A_509, %ge3A_511 : vector<16xf32>
          %jit3A_513 = arith.constant 1.11111116 : f32
          %jit3A_514 = arith.constant 0.000000e+00 : f32
          %broadcast_in_dim3A_515 = vector.broadcast %jit3A_513 : f32 to vector<16xf32>
          %broadcast_in_dim3A_516 = vector.broadcast %jit3A_514 : f32 to vector<16xf32>
          %select_n3A_517 = arith.select %ge3A_512, %broadcast_in_dim3A_515, %broadcast_in_dim3A_516 : vector<16xi1>, vector<16xf32>
          %get3A_518 = arith.index_cast %scan3A_400 : i32 to index
          %get3A_519 = arith.index_cast %scan3A_504 : i32 to index
          %get3A_520 = arith.constant 0 : index
          %get3A_521 = tpu.vector_load %arg7[%get3A_518, %get3A_519, %get3A_520] {strides = array<i32>} : memref<16x50x32xf32, #tpu.memory_space<vmem>>, vector<1x1x16xf32>,
          %get3A_522 = vector.shape_cast %get3A_521 : vector<1x1x16xf32> to vector<16xf32>
          %mul3A_523 = arith.mulf %get3A_522, %select_n3A_517 : vector<16xf32>
          %swap3A_524 = arith.index_cast %scan3A_400 : i32 to index
          %swap3A_525 = arith.index_cast %scan3A_504 : i32 to index
          %swap3A_526 = arith.constant 0 : index
          %swap3A_527 = tpu.vector_load %arg9[%swap3A_524, %swap3A_525, %swap3A_526] {strides = array<i32>} : memref<16x50x32xf32, #tpu.memory_space<vmem>>, vector<1x1x16xf32>,
          %swap3A_528 = vector.shape_cast %swap3A_527 : vector<1x1x16xf32> to vector<16xf32>
          %swap3A_529 = vector.shape_cast %mul3A_523 : vector<16xf32> to vector<1x1x16xf32>
          tpu.vector_store %arg9[%swap3A_524, %swap3A_525, %swap3A_526], %swap3A_529 {strides = array<i32>} : memref<16x50x32xf32, #tpu.memory_space<vmem>>, vector<1x1x16xf32>,
          %get3A_530 = arith.index_cast %scan3A_400 : i32 to index
          %get3A_531 = arith.index_cast %scan3A_504 : i32 to index
          %get3A_532 = arith.constant 16 : index
          %get3A_533 = tpu.vector_load %arg8[%get3A_530, %get3A_531, %get3A_532] {strides = array<i32>} : memref<16x50x32xf32, #tpu.memory_space<vmem>>, vector<1x1x16xf32>,
          %get3A_534 = vector.shape_cast %get3A_533 : vector<1x1x16xf32> to vector<16xf32>
          %ge3A_535 = arith.constant 1.000000e-01 : f32
          %ge3A_536 = vector.broadcast %ge3A_535 : f32 to vector<16xf32>
          %ge3A_537 = arith.cmpf oge, %get3A_534, %ge3A_536 : vector<16xf32>
          %jit3A_538 = arith.constant 1.11111116 : f32
          %jit3A_539 = arith.constant 0.000000e+00 : f32
          %broadcast_in_dim3A_540 = vector.broadcast %jit3A_538 : f32 to vector<16xf32>
          %broadcast_in_dim3A_541 = vector.broadcast %jit3A_539 : f32 to vector<16xf32>
          %select_n3A_542 = arith.select %ge3A_537, %broadcast_in_dim3A_540, %broadcast_in_dim3A_541 : vector<16xi1>, vector<16xf32>
          %get3A_543 = arith.index_cast %scan3A_400 : i32 to index
          %get3A_544 = arith.index_cast %scan3A_504 : i32 to index
          %get3A_545 = arith.constant 16 : index
          %get3A_546 = tpu.vector_load %arg7[%get3A_543, %get3A_544, %get3A_545] {strides = array<i32>} : memref<16x50x32xf32, #tpu.memory_space<vmem>>, vector<1x1x16xf32>,
          %get3A_547 = vector.shape_cast %get3A_546 : vector<1x1x16xf32> to vector<16xf32>
          %mul3A_548 = arith.mulf %get3A_547, %select_n3A_542 : vector<16xf32>
          %swap3A_549 = arith.index_cast %scan3A_400 : i32 to index
          %swap3A_550 = arith.index_cast %scan3A_504 : i32 to index
          %swap3A_551 = arith.constant 16 : index
          %swap3A_552 = tpu.vector_load %arg9[%swap3A_549, %swap3A_550, %swap3A_551] {strides = array<i32>} : memref<16x50x32xf32, #tpu.memory_space<vmem>>, vector<1x1x16xf32>,
          %swap3A_553 = vector.shape_cast %swap3A_552 : vector<1x1x16xf32> to vector<16xf32>
          %swap3A_554 = vector.shape_cast %mul3A_548 : vector<16xf32> to vector<1x1x16xf32>
          tpu.vector_store %arg9[%swap3A_549, %swap3A_550, %swap3A_551], %swap3A_554 {strides = array<i32>} : memref<16x50x32xf32, #tpu.memory_space<vmem>>, vector<1x1x16xf32>,
          %scan3A_555 = arith.constant 3 : i32
          %scan3A_556 = arith.addi %scan3A_406, %scan3A_555 : i32
          %get3A_557 = arith.index_cast %scan3A_400 : i32 to index
          %get3A_558 = arith.index_cast %scan3A_556 : i32 to index
          %get3A_559 = arith.constant 0 : index
          %get3A_560 = tpu.vector_load %arg8[%get3A_557, %get3A_558, %get3A_559] {strides = array<i32>} : memref<16x50x32xf32, #tpu.memory_space<vmem>>, vector<1x1x16xf32>,
          %get3A_561 = vector.shape_cast %get3A_560 : vector<1x1x16xf32> to vector<16xf32>
          %ge3A_562 = arith.constant 1.000000e-01 : f32
          %ge3A_563 = vector.broadcast %ge3A_562 : f32 to vector<16xf32>
          %ge3A_564 = arith.cmpf oge, %get3A_561, %ge3A_563 : vector<16xf32>
          %jit3A_565 = arith.constant 1.11111116 : f32
          %jit3A_566 = arith.constant 0.000000e+00 : f32
          %broadcast_in_dim3A_567 = vector.broadcast %jit3A_565 : f32 to vector<16xf32>
          %broadcast_in_dim3A_568 = vector.broadcast %jit3A_566 : f32 to vector<16xf32>
          %select_n3A_569 = arith.select %ge3A_564, %broadcast_in_dim3A_567, %broadcast_in_dim3A_568 : vector<16xi1>, vector<16xf32>
          %get3A_570 = arith.index_cast %scan3A_400 : i32 to index
          %get3A_571 = arith.index_cast %scan3A_556 : i32 to index
          %get3A_572 = arith.constant 0 : index
          %get3A_573 = tpu.vector_load %arg7[%get3A_570, %get3A_571, %get3A_572] {strides = array<i32>} : memref<16x50x32xf32, #tpu.memory_space<vmem>>, vector<1x1x16xf32>,
          %get3A_574 = vector.shape_cast %get3A_573 : vector<1x1x16xf32> to vector<16xf32>
          %mul3A_575 = arith.mulf %get3A_574, %select_n3A_569 : vector<16xf32>
          %swap3A_576 = arith.index_cast %scan3A_400 : i32 to index
          %swap3A_577 = arith.index_cast %scan3A_556 : i32 to index
          %swap3A_578 = arith.constant 0 : index
          %swap3A_579 = tpu.vector_load %arg9[%swap3A_576, %swap3A_577, %swap3A_578] {strides = array<i32>} : memref<16x50x32xf32, #tpu.memory_space<vmem>>, vector<1x1x16xf32>,
          %swap3A_580 = vector.shape_cast %swap3A_579 : vector<1x1x16xf32> to vector<16xf32>
          %swap3A_581 = vector.shape_cast %mul3A_575 : vector<16xf32> to vector<1x1x16xf32>
          tpu.vector_store %arg9[%swap3A_576, %swap3A_577, %swap3A_578], %swap3A_581 {strides = array<i32>} : memref<16x50x32xf32, #tpu.memory_space<vmem>>, vector<1x1x16xf32>,
          %get3A_582 = arith.index_cast %scan3A_400 : i32 to index
          %get3A_583 = arith.index_cast %scan3A_556 : i32 to index
          %get3A_584 = arith.constant 16 : index
          %get3A_585 = tpu.vector_load %arg8[%get3A_582, %get3A_583, %get3A_584] {strides = array<i32>} : memref<16x50x32xf32, #tpu.memory_space<vmem>>, vector<1x1x16xf32>,
          %get3A_586 = vector.shape_cast %get3A_585 : vector<1x1x16xf32> to vector<16xf32>
          %ge3A_587 = arith.constant 1.000000e-01 : f32
          %ge3A_588 = vector.broadcast %ge3A_587 : f32 to vector<16xf32>
          %ge3A_589 = arith.cmpf oge, %get3A_586, %ge3A_588 : vector<16xf32>
          %jit3A_590 = arith.constant 1.11111116 : f32
          %jit3A_591 = arith.constant 0.000000e+00 : f32
          %broadcast_in_dim3A_592 = vector.broadcast %jit3A_590 : f32 to vector<16xf32>
          %broadcast_in_dim3A_593 = vector.broadcast %jit3A_591 : f32 to vector<16xf32>
          %select_n3A_594 = arith.select %ge3A_589, %broadcast_in_dim3A_592, %broadcast_in_dim3A_593 : vector<16xi1>, vector<16xf32>
          %get3A_595 = arith.index_cast %scan3A_400 : i32 to index
          %get3A_596 = arith.index_cast %scan3A_556 : i32 to index
          %get3A_597 = arith.constant 16 : index
          %get3A_598 = tpu.vector_load %arg7[%get3A_595, %get3A_596, %get3A_597] {strides = array<i32>} : memref<16x50x32xf32, #tpu.memory_space<vmem>>, vector<1x1x16xf32>,
          %get3A_599 = vector.shape_cast %get3A_598 : vector<1x1x16xf32> to vector<16xf32>
          %mul3A_600 = arith.mulf %get3A_599, %select_n3A_594 : vector<16xf32>
          %swap3A_601 = arith.index_cast %scan3A_400 : i32 to index
          %swap3A_602 = arith.index_cast %scan3A_556 : i32 to index
          %swap3A_603 = arith.constant 16 : index
          %swap3A_604 = tpu.vector_load %arg9[%swap3A_601, %swap3A_602, %swap3A_603] {strides = array<i32>} : memref<16x50x32xf32, #tpu.memory_space<vmem>>, vector<1x1x16xf32>,
          %swap3A_605 = vector.shape_cast %swap3A_604 : vector<1x1x16xf32> to vector<16xf32>
          %swap3A_606 = vector.shape_cast %mul3A_600 : vector<16xf32> to vector<1x1x16xf32>
          tpu.vector_store %arg9[%swap3A_601, %swap3A_602, %swap3A_603], %swap3A_606 {strides = array<i32>} : memref<16x50x32xf32, #tpu.memory_space<vmem>>, vector<1x1x16xf32>,
          %scan3A_607 = arith.constant 4 : i32
          %scan3A_608 = arith.addi %scan3A_406, %scan3A_607 : i32
          %get3A_609 = arith.index_cast %scan3A_400 : i32 to index
          %get3A_610 = arith.index_cast %scan3A_608 : i32 to index
          %get3A_611 = arith.constant 0 : index
          %get3A_612 = tpu.vector_load %arg8[%get3A_609, %get3A_610, %get3A_611] {strides = array<i32>} : memref<16x50x32xf32, #tpu.memory_space<vmem>>, vector<1x1x16xf32>,
          %get3A_613 = vector.shape_cast %get3A_612 : vector<1x1x16xf32> to vector<16xf32>
          %ge3A_614 = arith.constant 1.000000e-01 : f32
          %ge3A_615 = vector.broadcast %ge3A_614 : f32 to vector<16xf32>
          %ge3A_616 = arith.cmpf oge, %get3A_613, %ge3A_615 : vector<16xf32>
          %jit3A_617 = arith.constant 1.11111116 : f32
          %jit3A_618 = arith.constant 0.000000e+00 : f32
          %broadcast_in_dim3A_619 = vector.broadcast %jit3A_617 : f32 to vector<16xf32>
          %broadcast_in_dim3A_620 = vector.broadcast %jit3A_618 : f32 to vector<16xf32>
          %select_n3A_621 = arith.select %ge3A_616, %broadcast_in_dim3A_619, %broadcast_in_dim3A_620 : vector<16xi1>, vector<16xf32>
          %get3A_622 = arith.index_cast %scan3A_400 : i32 to index
          %get3A_623 = arith.index_cast %scan3A_608 : i32 to index
          %get3A_624 = arith.constant 0 : index
          %get3A_625 = tpu.vector_load %arg7[%get3A_622, %get3A_623, %get3A_624] {strides = array<i32>} : memref<16x50x32xf32, #tpu.memory_space<vmem>>, vector<1x1x16xf32>,
          %get3A_626 = vector.shape_cast %get3A_625 : vector<1x1x16xf32> to vector<16xf32>
          %mul3A_627 = arith.mulf %get3A_626, %select_n3A_621 : vector<16xf32>
          %swap3A_628 = arith.index_cast %scan3A_400 : i32 to index
          %swap3A_629 = arith.index_cast %scan3A_608 : i32 to index
          %swap3A_630 = arith.constant 0 : index
          %swap3A_631 = tpu.vector_load %arg9[%swap3A_628, %swap3A_629, %swap3A_630] {strides = array<i32>} : memref<16x50x32xf32, #tpu.memory_space<vmem>>, vector<1x1x16xf32>,
          %swap3A_632 = vector.shape_cast %swap3A_631 : vector<1x1x16xf32> to vector<16xf32>
          %swap3A_633 = vector.shape_cast %mul3A_627 : vector<16xf32> to vector<1x1x16xf32>
          tpu.vector_store %arg9[%swap3A_628, %swap3A_629, %swap3A_630], %swap3A_633 {strides = array<i32>} : memref<16x50x32xf32, #tpu.memory_space<vmem>>, vector<1x1x16xf32>,
          %get3A_634 = arith.index_cast %scan3A_400 : i32 to index
          %get3A_635 = arith.index_cast %scan3A_608 : i32 to index
          %get3A_636 = arith.constant 16 : index
          %get3A_637 = tpu.vector_load %arg8[%get3A_634, %get3A_635, %get3A_636] {strides = array<i32>} : memref<16x50x32xf32, #tpu.memory_space<vmem>>, vector<1x1x16xf32>,
          %get3A_638 = vector.shape_cast %get3A_637 : vector<1x1x16xf32> to vector<16xf32>
          %ge3A_639 = arith.constant 1.000000e-01 : f32
          %ge3A_640 = vector.broadcast %ge3A_639 : f32 to vector<16xf32>
          %ge3A_641 = arith.cmpf oge, %get3A_638, %ge3A_640 : vector<16xf32>
          %jit3A_642 = arith.constant 1.11111116 : f32
          %jit3A_643 = arith.constant 0.000000e+00 : f32
          %broadcast_in_dim3A_644 = vector.broadcast %jit3A_642 : f32 to vector<16xf32>
          %broadcast_in_dim3A_645 = vector.broadcast %jit3A_643 : f32 to vector<16xf32>
          %select_n3A_646 = arith.select %ge3A_641, %broadcast_in_dim3A_644, %broadcast_in_dim3A_645 : vector<16xi1>, vector<16xf32>
          %get3A_647 = arith.index_cast %scan3A_400 : i32 to index
          %get3A_648 = arith.index_cast %scan3A_608 : i32 to index
          %get3A_649 = arith.constant 16 : index
          %get3A_650 = tpu.vector_load %arg7[%get3A_647, %get3A_648, %get3A_649] {strides = array<i32>} : memref<16x50x32xf32, #tpu.memory_space<vmem>>, vector<1x1x16xf32>,
          %get3A_651 = vector.shape_cast %get3A_650 : vector<1x1x16xf32> to vector<16xf32>
          %mul3A_652 = arith.mulf %get3A_651, %select_n3A_646 : vector<16xf32>
          %swap3A_653 = arith.index_cast %scan3A_400 : i32 to index
          %swap3A_654 = arith.index_cast %scan3A_608 : i32 to index
          %swap3A_655 = arith.constant 16 : index
          %swap3A_656 = tpu.vector_load %arg9[%swap3A_653, %swap3A_654, %swap3A_655] {strides = array<i32>} : memref<16x50x32xf32, #tpu.memory_space<vmem>>, vector<1x1x16xf32>,
          %swap3A_657 = vector.shape_cast %swap3A_656 : vector<1x1x16xf32> to vector<16xf32>
          %swap3A_658 = vector.shape_cast %mul3A_652 : vector<16xf32> to vector<1x1x16xf32>
          tpu.vector_store %arg9[%swap3A_653, %swap3A_654, %swap3A_655], %swap3A_658 {strides = array<i32>} : memref<16x50x32xf32, #tpu.memory_space<vmem>>, vector<1x1x16xf32>,
        }
        %scan3A_405 = arith.constant 50 : i32
      }
      %scan3A_399 = arith.constant 16 : i32
      "tpu.region"() ({
        %run_scoped3A = tpu.sem_alloc : memref<!tpu.dma_semaphore, #tpu.memory_space<semaphore_mem>>
        %dma_start3A_400 = arith.constant 0 : i32
        %dma_start3A_401 = arith.constant 0 : i32
        %dma_start3A_402 = tpu.memref_slice %arg5[%add3A_11, %dma_start3A_400, %dma_start3A_401] : memref<4096x50x32xf32, #tpu.memory_space<hbm>> -> memref<16x50x32xf32, #tpu.memory_space<hbm>>
        %dma_start3A_403 = arith.constant 0 : i32
        %dma_start3A_404 = arith.constant 0 : i32
        %dma_start3A_405 = tpu.memref_slice %arg5[%add3A_11, %dma_start3A_403, %dma_start3A_404] : memref<4096x50x32xf32, #tpu.memory_space<hbm>> -> memref<16x50x32xf32, #tpu.memory_space<hbm>>
        tpu.enqueue_dma source(%arg9 : memref<16x50x32xf32, #tpu.memory_space<vmem>>) target(%dma_start3A_405 : memref<16x50x32xf32, #tpu.memory_space<hbm>>) target_semaphore(%run_scoped3A : memref<!tpu.dma_semaphore, #tpu.memory_space<semaphore_mem>>)
        %dma_wait3A_406 = arith.constant 0 : i32
        %dma_wait3A_407 = arith.constant 0 : i32
        %dma_wait3A_408 = tpu.memref_slice %arg5[%add3A_11, %dma_wait3A_406, %dma_wait3A_407] : memref<4096x50x32xf32, #tpu.memory_space<hbm>> -> memref<16x50x32xf32, #tpu.memory_space<hbm>>
        %dma_wait3A_409 = arith.constant 0 : i32
        %dma_wait3A_410 = arith.constant 0 : i32
        %dma_wait3A_411 = tpu.memref_slice %arg5[%add3A_11, %dma_wait3A_409, %dma_wait3A_410] : memref<4096x50x32xf32, #tpu.memory_space<hbm>> -> memref<16x50x32xf32, #tpu.memory_space<hbm>>
        tpu.wait_dma2 semaphore(%run_scoped3A : memref<!tpu.dma_semaphore, #tpu.memory_space<semaphore_mem>>) src(%arg9 : memref<16x50x32xf32, #tpu.memory_space<vmem>>) dst(%dma_wait3A_411 : memref<16x50x32xf32, #tpu.memory_space<hbm>>)
        tpu.yield
      }) : () -> ()
    }
    %scan3A_7 = arith.constant 8 : i32
    return
  }
}

</mosaic_0001>

<sc_bundles>
// kernel: _run.3.cloned.1.call-start
scs
__scs_entry_jumppad:
0x0: {  	(pc) =	sbr.rel $0x88, $3  }
0x1: {  	(tag) =	ssettag $0x0;
	lr =	simm.s32 $0x1  }
0x2: {  	[smem:$0x3F9E] =	sst lr;
	_ =	strace $0xD0000000  }
0x3: {  	_ = 	snop  }
0x4: {  	_ = 	snop  }
0x5: {  	_ = 	snop  }
0x6: {  	_ = 	snop  }
0x7: {  	_ = 	snop  }
__scs_overlays_trampoline_lowered:
0x8: {  	[smem:$0x3FAD] =	sst s0  }
0x9: {  	[smem:$0x3FAE] =	sst s1  }
0xa: {  	[smem:$0x3FAF] =	sst s2  }
0xb: {  	[smem:$0x3FB0] =	sst s3  }
0xc: {  	[smem:$0x3FB1] =	sst s4  }
0xd: {  	[smem:$0x3FB2] =	sst s5  }
0xe: {  	[smem:$0x3FB3] =	sst s6  }
0xf: {  	[smem:$0x3FB4] =	sst s7  }
0x10: {  	[smem:$0x3FB5] =	sst s8  }
0x11: {  	[smem:$0x3FB6] =	sst s9;
	s0 =	simm.s32 @!p0 $0x0  }
0x12: {  	s1 =	sld [smem:$0x3F9C];
	s0 =	simm.s32 @p0 $0x1  }
0x13: {  	[smem:$0x3FB7] =	sst s0;
	s0 =	simm.s32 @!p1 $0x0  }
0x14: {  	s2 =	sld [smem:$0x3F9B];
	s0 =	simm.s32 @p1 $0x1  }
0x15: {  	[smem:$0x3FB8] =	sst s0;
	s0 =	simm.s32 @!p2 $0x0  }
0x16: {  	s3 =	sld [smem:$0x3FDB];
	s0 =	simm.s32 @p2 $0x1  }
0x17: {  	s4 =	simm.s32 $0x1BF5;
	[smem:$0x3FBA] =	sst s0  }
0x18: {  	s0 =	sld [smem:$0x3F9D];
	_ =	swait.ge [sflag:s4], $0x0  }
0x19: {  	s7 =	sld [smem:$0x3F9E]  }
0x1a: {  	s8 =	sadd.s32 $0xFFFFE003, lr  }
0x1b: {  	s9 =	sadd.s32 $0xFFFFFEF7, lr;
	s5 =	simm.s32 $0xFFFFFFFF;
	p2 =	slt.u32 s8, $0xFFFFF086  }
0x1c: {  	p1 =	slt.u32 s9, $0xF7A;
	s5 =	simm.s32 @!p2 $0x0  }
0x1d: {  	s5 =	simm.s32 @p1 $0x1;
	p0 =	seq.s32 s7, s2  }
0x1e: {  	s7 =	smul.u32 @!p0 $0xF7A, s2;
	p2 =	seq.s32 @!p0 s5, $0x0  }
0x1f: {  	s9 =	smul.u32 $0xF7A, s1;
	s8 =	simm.s32 @!p0 $0x1BF5;
	p2 =	por !p2, p0  }
0x20: {  	[sflag:s8] =	ssyncset.s32 @!p0 $0xFFFFF086;
	s6 =	sadd.s32 @!p0 s3, s7;
	s7 =	simm.s32 @!p0 $0x108  }
0x21: {  	s3 =	sadd.s32 s3, s9;
	s6 =	sadd.s32 @!p0 $0x88, s6;
	s7 =	simm.s32 @p2 $0x1082  }
0x22: {  	[simem:s7], [sflag:s8] =	dma.local @!p0 [hbm:s6], $0xF7A  }
0x23: {  	s9 =	sor.u32 $0xD0000000, s2;
	s6 =	simm.s32 $0x108;
	_ =	swait.ge @!p0 [sflag:s8], $0x0  }
0x24: {  	s3 =	sadd.s32 $0x88, s3;
	s6 =	simm.s32 @!p1 $0x1082;
	[sflag:s4] =	ssyncset.s32 $0xFFFFF086  }
0x25: {  	[simem:s6], [sflag:s4] =	dma.local [hbm:s3], $0xF7A  }
0x26: {  	[smem:$0x3F9E] =	sst s1;
	(tag) =	ssettag s2;
	_ =	strace s9  }
0x27: {  	s1 =	sld [smem:$0x3FAE]  }
0x28: {  	s2 =	sld [smem:$0x3FAF]  }
0x29: {  	s4 =	sld [smem:$0x3FB1]  }
0x2a: {  	p0 =	seq.s32 s5, $0x0;
	s5 =	sld [smem:$0x3FB2]  }
0x2b: {  	s6 =	sld [smem:$0x3FB3]  }
0x2c: {  	s7 =	sld [smem:$0x3FB4]  }
0x2d: {  	s3 =	simm.s32 $0x108;
	s8 =	sld [smem:$0x3FB5]  }
0x2e: {  	s3 =	simm.s32 @!p0 $0x1082;
	s9 =	sld [smem:$0x3FB6]  }
0x2f: {  	lr =	sadd.s32 s0, s3;
	s0 =	sld [smem:$0x3FAD]  }
0x30: {  	s3 =	sld [smem:$0x3FB0]  }
0x31: {  	[smem:$0x3FB9] =	sst s10  }
0x32: {  	s10 =	sld [smem:$0x3FB7];
	_ =	sdelay $0x3  }
0x33: {  	p0 =	seq.s32 s10, $0x1;
	s10 =	sld [smem:$0x3FB9];
	_ =	sdelay $0x3  }
0x34: {  	[smem:$0x3FB9] =	sst s10  }
0x35: {  	s10 =	sld [smem:$0x3FB8];
	_ =	sdelay $0x3  }
0x36: {  	p1 =	seq.s32 s10, $0x1;
	s10 =	sld [smem:$0x3FB9];
	_ =	sdelay $0x3  }
0x37: {  	[smem:$0x3FB9] =	sst s10  }
0x38: {  	s10 =	sld [smem:$0x3FBA]  }
0x39: {  	_ = 	snop;
	(pc) =	sbr.ind lr, $3  }
0x3a: {  	_ = 	snop  }
0x3b: {  	_ = 	snop  }
0x3c: {  	p2 =	seq.s32 s10, $0x1;
	s10 =	sld [smem:$0x3FB9]  }
0x3d: {  	_ =	shalt  }
0x3e: {  	_ =	shalt  }
0x3f: {  	_ =	shalt  }
0x40: {  	_ =	shalt  }
0x41: {  	_ =	shalt  }
0x42: {  	_ =	shalt  }
0x43: {  	_ =	shalt  }
0x44: {  	_ =	shalt  }
0x45: {  	_ =	shalt  }
0x46: {  	_ =	shalt  }
0x47: {  	_ =	shalt  }
0x48: {  	_ =	shalt  }
0x49: {  	_ =	shalt  }
0x4a: {  	_ =	shalt  }
0x4b: {  	_ =	shalt  }
0x4c: {  	_ =	shalt  }
0x4d: {  	_ =	shalt  }
0x4e: {  	_ =	shalt  }
0x4f: {  	_ =	shalt  }
0x50: {  	_ =	shalt  }
0x51: {  	_ =	shalt  }
0x52: {  	_ =	shalt  }
0x53: {  	_ =	shalt  }
0x54: {  	_ =	shalt  }
0x55: {  	_ =	shalt  }
0x56: {  	_ =	shalt  }
0x57: {  	_ =	shalt  }
0x58: {  	_ =	shalt  }
0x59: {  	_ =	shalt  }
0x5a: {  	_ =	shalt  }
0x5b: {  	_ =	shalt  }
0x5c: {  	_ =	shalt  }
0x5d: {  	_ =	shalt  }
0x5e: {  	_ =	shalt  }
0x5f: {  	_ =	shalt  }
0x60: {  	_ =	shalt  }
0x61: {  	_ =	shalt  }
0x62: {  	_ =	shalt  }
0x63: {  	_ =	shalt  }
0x64: {  	_ =	shalt  }
0x65: {  	_ =	shalt  }
0x66: {  	_ =	shalt  }
0x67: {  	_ =	shalt  }
0x68: {  	_ =	shalt  }
0x69: {  	_ =	shalt  }
0x6a: {  	_ =	shalt  }
0x6b: {  	_ =	shalt  }
0x6c: {  	_ =	shalt  }
0x6d: {  	_ =	shalt  }
0x6e: {  	_ =	shalt  }
0x6f: {  	_ =	shalt  }
0x70: {  	_ =	shalt  }
0x71: {  	_ =	shalt  }
0x72: {  	_ =	shalt  }
0x73: {  	_ =	shalt  }
0x74: {  	_ =	shalt  }
0x75: {  	_ =	shalt  }
0x76: {  	_ =	shalt  }
0x77: {  	_ =	shalt  }
0x78: {  	_ =	shalt  }
0x79: {  	_ =	shalt  }
0x7a: {  	_ =	shalt  }
0x7b: {  	_ =	shalt  }
0x7c: {  	_ =	shalt  }
0x7d: {  	_ =	shalt  }
0x7e: {  	_ =	shalt  }
0x7f: {  	_ =	shalt  }
0x80: {  	_ =	shalt  }
0x81: {  	_ =	shalt  }
0x82: {  	_ =	shalt  }
0x83: {  	_ =	shalt  }
0x84: {  	_ =	shalt  }
0x85: {  	_ =	shalt  }
0x86: {  	_ =	shalt  }
0x87: {  	_ =	shalt  }
.Lfunc_end0:
.L_simem_size_0:
called_computation_lowered:
.L_overlay_start_0:
0x88: {  	s2 =	sld [smem:$0x3FD9]  }
0x89: {  	s3 =	sld [smem:$0x3FFE];
	_ =	sdelay $0x1  }
0x8a: {  	s1 =	srdreg.scid  }
0x8b: {  	s0 =	sand.u32 $0x1, s1  }
0x8c: {  	s17 =	sshll.u32 s0, $0xA;
	s2 =	sadd.s32 s3, s2  }
0x8d: {  	s2 =	sadd.s32 s2, s17  }
0x8e: {  	[smem:$0x3FC5] =	sst s2  }
0x8f: {  	_ = 	snop  }
0x90: {  	s2 =	sld [smem:$0x3FD0];
	(tm) =	ssettm $0x1  }
0x91: {  	s18 =	sld [smem:$0x3FFB];
	_ =	sdelay $0x3  }
0x92: {  	_ =	strace s18  }
0x93: {  	s3 =	sld [smem:$0x3FFC];
	_ =	sdelay $0x3  }
0x94: {  	_ =	strace s3  }
0x95: {  	s3 =	sld [smem:$0x3FFD];
	_ =	sdelay $0x3  }
0x96: {  	_ =	strace s3  }
0x97: {  	_ =	strace $0x8FFFFFFF  }
0x98: {  	s19 =	sld [smem:$0x3FDB];
	_ =	sdelay $0x1  }
0x99: {  	s4 =	simm.s32 $_scs_section_size  }
0x9a: {  	s5 =	simm.s32 $_size__tile_overlayer_lowered;
	s6 =	simm.s32 $_tile_overlayer_lowered  }
0x9b: {  	s22 =	simm.s32 $0x1BFF;
	s21 =	sshll.u32 s6, $0x1;
	s3 =	sadd.s32 s4, s19  }
0x9c: {  	s7 =	simm.s32 $0x0;
	s20 =	sshll.u32 s5, $0x1;
	s5 =	sadd.s32 s21, s3  }
0x9d: {  	[timem:s7], [sflag:s22] =	dma.local [hbm:s5], s20  }
0x9e: {  	_ =	swait.ge [sflag:s22], s20  }
0x9f: {  	s4 =	ssub.s32 $0x0, s20;
	[sflag:s22] =	ssyncset.done $0x0  }
0xa0: {  	[sflag:s22] =	ssyncadd.s32 s4;
	_ =	sdelay $0x1  }
0xa1: {  	s23 =	simm.s32 $0x1B8B  }
0xa2: {  	_ =	swait.ge [sflag:s23], $0x1  }
0xa3: {  	[sflag:s23] =	ssyncset.done $0x0  }
0xa4: {  	s25 =	simm.s32 $0x1B8E;
	s24 =	sld [smem:$0x3FFE];
	[sflag:s23] =	ssyncadd.s32 $0xFFFFFFFF  }
0xa5: {  	s26 =	simm.s32 $execute0_lowered;
	[smem:$0x3FD2] =	sst s25  }
0xa6: {  	s5 =	sshll.u32 s26, $0x1;
	_ =	strace $0x80000046;
	[dreg:$0x1] =	wrdreg $0xFFFFFFFF  }
0xa7: {  	s28 =	simm.s32 $_size_execute0_lowered;
	s3 =	sadd.s32 s3, s5;
	[dreg:$0x0] =	wrdreg $0x0  }
0xa8: {  	s5 =	sshll.u32 s28, $0x1;
	[dreg:$0x2] =	wrdreg s3  }
0xa9: {  	[dreg:$0x3] =	wrdreg s5  }
0xaa: {  	[dreg:$0x4] =	wrdreg $0xC0  }
0xab: {  	_ =	task [dreg:s7], $0x5FFFF  }
0xac: {  	[dreg:$0x1] =	wrdreg $0xFFFFFFFF  }
0xad: {  	[dreg:$0x0] =	wrdreg $0x60  }
0xae: {  	[dreg:$0x2] =	wrdreg s24  }
0xaf: {  	[dreg:$0x3] =	wrdreg s2  }
0xb0: {  	[dreg:$0x4] =	wrdreg $0x9  }
0xb1: {  	_ =	task.clear_ibuf [dreg:s7], $0x5FFFF;
	_ =	strace $0x90000046  }
0xb2: {  	s29 =	simm.s32 $0x9;
	_ =	strace $0x80000048  }
0xb3: {  	_ =	swait.ge [sflag:s29], $0x1  }
0xb4: {  	[sflag:s29] =	ssyncadd.s32 $0xFFFFFFFF  }
0xb5: {  	_ =	strace $0x90000048  }
0xb6: {  	_ =	sfence  }
0xb7: {  	s30 =	sld [smem:$0x0];
	_ =	sdelay $0x2  }
0xb8: {  	s31 =	sshll.u32 s1, $0xD;
	s1 =	sshrl.u32 s1, $0x2  }
0xb9: {  	s3 =	sand.u32 $0x4000, s31;
	s1 =	sadd.s32 s1, s30  }
0xba: {  	s0 =	sor.u32 s3, s0;
	s1 =	sshll.u32 s1, $0x11  }
0xbb: {  	s0 =	sor.u32 s1, s0  }
0xbc: {  	s0 =	sadd.s32 $0x8F2B, s0  }
0xbd: {  	[sflag:s0] =	ssyncadd.remote.s32 $0x1  }
0xbe: {  	_ =	sfence.sel $0xFFFF  }
0xbf: {  	[dreg:$0x0] =	wrdreg $0xFFFFFFFF;
	(pc) =	sbr.abs _section_cstart, $3  }
0xc0: {  	[dreg:$0x1] =	wrdreg $0xFFFFFFFF  }
0xc1: {  	_ =	task.clear_ibuf [dreg:s7], $0x2FFFF;
	_ =	strace $0x9FFFFFFF  }
0xc2: {  	(tm) =	ssettm $0x7FFFFFFF  }
0xc3: {  	_ =	shalt  }
tec
execute0_lowered:
.L_overlay_start_1:
0x0: {  	(tag) =	ssettag $0x1  }
0x1: {  	s0 =	rddreg [dreg:$0x0];
	s1 =	simm.s32 $0x0;
	s28 =	srdreg.scid  }
0x2: {  	s3 =	stileid.u32;
	s9 =	simm.s32 $0x2;
	s10 =	simm.s32 $0x32  }
0x3: {  	s31 =	simm.s32 $0x230;
	s8 =	simm.s32 $0x4840;
	s11 =	simm.s32 $0x2D8  }
0x4: {  	s12 =	simm.s32 $0x54C0;
	s13 =	simm.s32 $0x310;
	s14 =	simm.s32 $0x5B00  }
0x5: {  	s15 =	simm.s32 $0x348;
	s16 =	simm.s32 $0x6140;
	s17 =	simm.s32 $0x6780  }
0x6: {  	s18 =	simm.s32 $0x1;
	s19 =	simm.s32 $0xCB80;
	s21 =	simm.s32 $0x0  }
0x7: {  	[smem:$0x7FF] =	sst s1;
	s1 =	sand.u32 $0x1, s28;
	s4 =	sadd.s32 $0x800, s0  }
0x8: {  	s5 =	sadd.s32 $0xF42C00, s0;
	s6 =	sadd.s32 $0x7800, s0;
	s2 =	ssub.s32 $0x2, s1  }
0x9: {  	s30 =	sshll.u32 s3, $0x8;
	s3 =	simm.s32 $0x268;
	s29 =	sshrl.u32 s2, $0x1  }
0xa: {  	_ =	strace $0x80000047;
	s1 =	sshll.u32 s1, $0x7;
	s0 =	ssub.s32 s2, s29  }
0xb: {  	s7 =	sor.u32 s1, s30;
	s1 =	simm.s32 $0x2A0;
	s0 =	smax.u32 s0, $0x1  }
0xc: {  	v0 =	vimm.f32 $0.0e+00;
	s2 =	simm.s32 $0x4E80;
	[dreg:$0x3] =	wrdreg s0;
	s0 =	simm.s32 $0x4200  }
.LBB2_1:
0xd: {  	[dreg:$0x4] =	wrdreg s21;
	s20 =	simm.s32 $0x0  }
.LBB2_2:
0xe: {  	s21 =	sshll.u32 s20, $0x4  }
0xf: {  	s22 =	sadd.s32 s7, s21  }
0x10: {  	s21 =	smul.u32 $0x7, s22;
	_ =	sdelay $0x1  }
0x11: {  	s23 =	sadd.s32 s4, s21;
	s21 =	simm.s32 $0x0  }
0x12: {  	[tilespmem:s21], [sflag:$0x2] =	stream.linear.gather [hbm4b:s23+s21], $0x380, $0x38;
	[tilespmem:$0x12F80] =	vst v63  }
0x13: {  	_ =	swait.ge [sflag:s9], $0x380  }
0x14: {  	[sflag:s9] =	ssyncset.done $0x0  }
0x15: {  	s28 =	simm.s32 $0x380;
	[sflag:s9] =	ssyncadd.s32 $0xFFFFFC80  }
0x16: {  	[tilespmem:s28], [sflag:$0x1] =	stream.indirect.gather [hbm4b:s5+s10], $0x20, s21, s10, $0xb8;
	[tilespmem:$0x12F80] =	vst v63  }
0x17: {  	s29 =	simm.s32 $0x38;
	s24 =	simm.s32 $0x9C0  }
0x18: {  	[tilespmem:s24], [sflag:$0x1] =	stream.indirect.gather [hbm4b:s5+s10], $0x20, s29, s10, $0xb8;
	[tilespmem:$0x12F80] =	vst v63  }
0x19: {  	s25 =	simm.s32 $0x70;
	s26 =	simm.s32 $0x1000  }
0x1a: {  	[tilespmem:s26], [sflag:$0x1] =	stream.indirect.gather [hbm4b:s5+s10], $0x20, s25, s10, $0xb8;
	[tilespmem:$0x12F80] =	vst v63  }
0x1b: {  	s28 =	simm.s32 $0xA8;
	s29 =	simm.s32 $0x1640  }
0x1c: {  	[tilespmem:s29], [sflag:$0x1] =	stream.indirect.gather [hbm4b:s5+s10], $0x20, s28, s10, $0xb8;
	[tilespmem:$0x12F80] =	vst v63  }
0x1d: {  	s25 =	simm.s32 $0xE0;
	s26 =	simm.s32 $0x1C80  }
0x1e: {  	[tilespmem:s26], [sflag:$0x1] =	stream.indirect.gather [hbm4b:s5+s10], $0x20, s25, s10, $0xb8;
	[tilespmem:$0x12F80] =	vst v63  }
0x1f: {  	s28 =	simm.s32 $0x118;
	s29 =	simm.s32 $0x22C0  }
0x20: {  	[tilespmem:s29], [sflag:$0x1] =	stream.indirect.gather [hbm4b:s5+s10], $0x20, s28, s10, $0xb8;
	[tilespmem:$0x12F80] =	vst v63  }
0x21: {  	s25 =	simm.s32 $0x150;
	s26 =	simm.s32 $0x2900  }
0x22: {  	[tilespmem:s26], [sflag:$0x1] =	stream.indirect.gather [hbm4b:s5+s10], $0x20, s25, s10, $0xb8;
	[tilespmem:$0x12F80] =	vst v63  }
0x23: {  	s28 =	simm.s32 $0x188;
	s29 =	simm.s32 $0x2F40  }
0x24: {  	[tilespmem:s29], [sflag:$0x1] =	stream.indirect.gather [hbm4b:s5+s10], $0x20, s28, s10, $0xb8;
	[tilespmem:$0x12F80] =	vst v63  }
0x25: {  	s24 =	simm.s32 $0x1C0;
	s25 =	simm.s32 $0x3580  }
0x26: {  	[tilespmem:s25], [sflag:$0x1] =	stream.indirect.gather [hbm4b:s5+s10], $0x20, s24, s10, $0xb8;
	[tilespmem:$0x12F80] =	vst v63  }
0x27: {  	s26 =	simm.s32 $0x1F8;
	s28 =	simm.s32 $0x3BC0  }
0x28: {  	[tilespmem:s28], [sflag:$0x1] =	stream.indirect.gather [hbm4b:s5+s10], $0x20, s26, s10, $0xb8;
	[tilespmem:$0x12F80] =	vst v63  }
0x29: {  	_ = 	snop  }
0x2a: {  	[tilespmem:s0], [sflag:$0x1] =	stream.indirect.gather [hbm4b:s5+s10], $0x20, s31, s10, $0xb8;
	[tilespmem:$0x12F80] =	vst v63  }
0x2b: {  	_ = 	snop  }
0x2c: {  	[tilespmem:s8], [sflag:$0x1] =	stream.indirect.gather [hbm4b:s5+s10], $0x20, s3, s10, $0xb8;
	[tilespmem:$0x12F80] =	vst v63  }
0x2d: {  	_ = 	snop  }
0x2e: {  	[tilespmem:s2], [sflag:$0x1] =	stream.indirect.gather [hbm4b:s5+s10], $0x20, s1, s10, $0xb8;
	[tilespmem:$0x12F80] =	vst v63  }
0x2f: {  	_ = 	snop  }
0x30: {  	[tilespmem:s12], [sflag:$0x1] =	stream.indirect.gather [hbm4b:s5+s10], $0x20, s11, s10, $0xb8;
	[tilespmem:$0x12F80] =	vst v63  }
0x31: {  	_ = 	snop  }
0x32: {  	[tilespmem:s14], [sflag:$0x1] =	stream.indirect.gather [hbm4b:s5+s10], $0x20, s13, s10, $0xb8;
	[tilespmem:$0x12F80] =	vst v63  }
0x33: {  	s22 =	smul.u32 $0xC8, s22;
	s29 =	rddreg [dreg:$0x1]  }
0x34: {  	[tilespmem:s16], [sflag:$0x1] =	stream.indirect.gather [hbm4b:s5+s10], $0x20, s15, s10, $0xb8;
	[tilespmem:$0x12F80] =	vst v63  }
0x35: {  	s23 =	sadd.s32 s29, s22  }
0x36: {  	[tilespmem:s17], [sflag:$0x2] =	stream.linear.gather [hbm4b:s23+s21], $0x6400, $0x38;
	[tilespmem:$0x12F80] =	vst v63  }
0x37: {  	_ =	swait.ge [sflag:s9], $0x6400  }
0x38: {  	[sflag:s9] =	ssyncset.done $0x0  }
0x39: {  	[sflag:s9] =	ssyncadd.s32 $0xFFFF9C00  }
0x3a: {  	_ =	swait.ge [sflag:s18], $0x640  }
0x3b: {  	[sflag:s18] =	ssyncset.done $0x0  }
0x3c: {  	[sflag:s18] =	ssyncadd.s32 $0xFFFFF9C0  }
0x3d: {  	_ =	swait.ge [sflag:s18], $0x640  }
0x3e: {  	[sflag:s18] =	ssyncset.done $0x0  }
0x3f: {  	[sflag:s18] =	ssyncadd.s32 $0xFFFFF9C0  }
0x40: {  	_ =	swait.ge [sflag:s18], $0x640  }
0x41: {  	[sflag:s18] =	ssyncset.done $0x0  }
0x42: {  	[sflag:s18] =	ssyncadd.s32 $0xFFFFF9C0  }
0x43: {  	_ =	swait.ge [sflag:s18], $0x640  }
0x44: {  	[sflag:s18] =	ssyncset.done $0x0  }
0x45: {  	[sflag:s18] =	ssyncadd.s32 $0xFFFFF9C0  }
0x46: {  	_ =	swait.ge [sflag:s18], $0x640  }
0x47: {  	[sflag:s18] =	ssyncset.done $0x0  }
0x48: {  	[sflag:s18] =	ssyncadd.s32 $0xFFFFF9C0  }
0x49: {  	_ =	swait.ge [sflag:s18], $0x640  }
0x4a: {  	[sflag:s18] =	ssyncset.done $0x0  }
0x4b: {  	[sflag:s18] =	ssyncadd.s32 $0xFFFFF9C0  }
0x4c: {  	_ =	swait.ge [sflag:s18], $0x640  }
0x4d: {  	[sflag:s18] =	ssyncset.done $0x0  }
0x4e: {  	[sflag:s18] =	ssyncadd.s32 $0xFFFFF9C0  }
0x4f: {  	_ =	swait.ge [sflag:s18], $0x640  }
0x50: {  	[sflag:s18] =	ssyncset.done $0x0  }
0x51: {  	[sflag:s18] =	ssyncadd.s32 $0xFFFFF9C0  }
0x52: {  	_ =	swait.ge [sflag:s18], $0x640  }
0x53: {  	[sflag:s18] =	ssyncset.done $0x0  }
0x54: {  	[sflag:s18] =	ssyncadd.s32 $0xFFFFF9C0  }
0x55: {  	_ =	swait.ge [sflag:s18], $0x640  }
0x56: {  	[sflag:s18] =	ssyncset.done $0x0  }
0x57: {  	[sflag:s18] =	ssyncadd.s32 $0xFFFFF9C0  }
0x58: {  	_ =	swait.ge [sflag:s18], $0x640  }
0x59: {  	[sflag:s18] =	ssyncset.done $0x0  }
0x5a: {  	[sflag:s18] =	ssyncadd.s32 $0xFFFFF9C0  }
0x5b: {  	_ =	swait.ge [sflag:s18], $0x640  }
0x5c: {  	[sflag:s18] =	ssyncset.done $0x0  }
0x5d: {  	[sflag:s18] =	ssyncadd.s32 $0xFFFFF9C0  }
0x5e: {  	_ =	swait.ge [sflag:s18], $0x640  }
0x5f: {  	[sflag:s18] =	ssyncset.done $0x0  }
0x60: {  	[sflag:s18] =	ssyncadd.s32 $0xFFFFF9C0  }
0x61: {  	_ =	swait.ge [sflag:s18], $0x640  }
0x62: {  	[sflag:s18] =	ssyncset.done $0x0  }
0x63: {  	[sflag:s18] =	ssyncadd.s32 $0xFFFFF9C0  }
0x64: {  	_ =	swait.ge [sflag:s18], $0x640  }
0x65: {  	[sflag:s18] =	ssyncset.done $0x0  }
0x66: {  	[sflag:s18] =	ssyncadd.s32 $0xFFFFF9C0  }
0x67: {  	_ =	swait.ge [sflag:s18], $0x640  }
0x68: {  	s30 =	simm.s32 $0x3D0;
	[sflag:s18] =	ssyncset.done $0x0  }
0x69: {  	s25 =	simm.s32 $0x67D0;
	s26 =	simm.s32 $0xCBD0;
	[sflag:s18] =	ssyncadd.s32 $0xFFFFF9C0  }
.LBB2_3:
0x6a: {  	v1 =	vld [tilespmem:s25+$0xFFFFFFB0];
	_ =	sdelay $0x1  }
0x6b: {  	v2 =	vld [tilespmem:s30+$0xFFFFFFB0];
	_ =	sdelay $0x2  }
0x6c: {  	vm0 =	vge.f32 v1, $1.000000010e-01  }
0x6d: {  	v1 =	vsel vm0, $0x3F8E38E4, v0  }
0x6e: {  	v1 =	vmul.f32 v1, v2;
	_ =	sdelay $0x1  }
0x6f: {  	[tilespmem:s26+$0xFFFFFFB0] =	vst v1  }
0x70: {  	v1 =	vld [tilespmem:s25+$0xFFFFFFC0];
	_ =	sdelay $0x1  }
0x71: {  	v2 =	vld [tilespmem:s30+$0xFFFFFFC0];
	_ =	sdelay $0x2  }
0x72: {  	vm7 =	vge.f32 v1, $1.000000010e-01  }
0x73: {  	v1 =	vsel vm7, $0x3F8E38E4, v0  }
0x74: {  	v1 =	vmul.f32 v1, v2;
	_ =	sdelay $0x1  }
0x75: {  	[tilespmem:s26+$0xFFFFFFC0] =	vst v1  }
0x76: {  	v1 =	vld [tilespmem:s25+$0xFFFFFFD0];
	_ =	sdelay $0x1  }
0x77: {  	v2 =	vld [tilespmem:s30+$0xFFFFFFD0];
	_ =	sdelay $0x2  }
0x78: {  	vm8 =	vge.f32 v1, $1.000000010e-01  }
0x79: {  	v1 =	vsel vm8, $0x3F8E38E4, v0  }
0x7a: {  	v1 =	vmul.f32 v1, v2;
	_ =	sdelay $0x1  }
0x7b: {  	[tilespmem:s26+$0xFFFFFFD0] =	vst v1  }
0x7c: {  	v1 =	vld [tilespmem:s25+$0xFFFFFFE0];
	_ =	sdelay $0x1  }
0x7d: {  	v2 =	vld [tilespmem:s30+$0xFFFFFFE0];
	_ =	sdelay $0x2  }
0x7e: {  	vm9 =	vge.f32 v1, $1.000000010e-01  }
0x7f: {  	v1 =	vsel vm9, $0x3F8E38E4, v0  }
0x80: {  	v1 =	vmul.f32 v1, v2;
	_ =	sdelay $0x1  }
0x81: {  	[tilespmem:s26+$0xFFFFFFE0] =	vst v1  }
0x82: {  	v1 =	vld [tilespmem:s25+$0xFFFFFFF0];
	_ =	sdelay $0x1  }
0x83: {  	v2 =	vld [tilespmem:s30+$0xFFFFFFF0];
	_ =	sdelay $0x2  }
0x84: {  	vm10 =	vge.f32 v1, $1.000000010e-01  }
0x85: {  	v1 =	vsel vm10, $0x3F8E38E4, v0  }
0x86: {  	v1 =	vmul.f32 v1, v2;
	_ =	sdelay $0x1  }
0x87: {  	[tilespmem:s26+$0xFFFFFFF0] =	vst v1  }
0x88: {  	v1 =	vld [tilespmem:s25+$0x0];
	_ =	sdelay $0x1  }
0x89: {  	v2 =	vld [tilespmem:s30+$0x0];
	_ =	sdelay $0x2  }
0x8a: {  	vm11 =	vge.f32 v1, $1.000000010e-01  }
0x8b: {  	v1 =	vsel vm11, $0x3F8E38E4, v0  }
0x8c: {  	v1 =	vmul.f32 v1, v2;
	_ =	sdelay $0x1  }
0x8d: {  	[tilespmem:s26+$0x0] =	vst v1  }
0x8e: {  	v1 =	vld [tilespmem:s25+$0x10];
	_ =	sdelay $0x1  }
0x8f: {  	v2 =	vld [tilespmem:s30+$0x10];
	_ =	sdelay $0x2  }
0x90: {  	vm12 =	vge.f32 v1, $1.000000010e-01  }
0x91: {  	v1 =	vsel vm12, $0x3F8E38E4, v0  }
0x92: {  	v1 =	vmul.f32 v1, v2;
	_ =	sdelay $0x1  }
0x93: {  	[tilespmem:s26+$0x10] =	vst v1  }
0x94: {  	v1 =	vld [tilespmem:s25+$0x20];
	_ =	sdelay $0x1  }
0x95: {  	v2 =	vld [tilespmem:s30+$0x20];
	_ =	sdelay $0x2  }
0x96: {  	vm13 =	vge.f32 v1, $1.000000010e-01  }
0x97: {  	v1 =	vsel vm13, $0x3F8E38E4, v0  }
0x98: {  	v1 =	vmul.f32 v1, v2;
	_ =	sdelay $0x1  }
0x99: {  	[tilespmem:s26+$0x20] =	vst v1  }
0x9a: {  	v1 =	vld [tilespmem:s25+$0x30];
	_ =	sdelay $0x1  }
0x9b: {  	v2 =	vld [tilespmem:s30+$0x30];
	_ =	sdelay $0x2  }
0x9c: {  	vm14 =	vge.f32 v1, $1.000000010e-01  }
0x9d: {  	v1 =	vsel vm14, $0x3F8E38E4, v0  }
0x9e: {  	v1 =	vmul.f32 v1, v2;
	_ =	sdelay $0x1  }
0x9f: {  	[tilespmem:s26+$0x30] =	vst v1  }
0xa0: {  	v1 =	vld [tilespmem:s25+$0x40];
	_ =	sdelay $0x1  }
0xa1: {  	v2 =	vld [tilespmem:s30+$0x40];
	_ =	sdelay $0x2  }
0xa2: {  	vm15 =	vge.f32 v1, $1.000000010e-01  }
0xa3: {  	v1 =	vsel vm15, $0x3F8E38E4, v0  }
0xa4: {  	s28 =	simm.s32 $0x0;
	v1 =	vmul.f32 v1, v2  }
0xa5: {  	s29 =	sadd.s32 $0xA0, s25;
	s23 =	smov.u32 s26;
	s24 =	smov.u32 s30  }
.LBB2_4:
0xa6: {  	s28 =	sadd.s32 $0x5, s28;
	[tilespmem:s23+$0x40] =	vst v1;
	s23 =	sadd.s32 $0xA0, s23;
	s24 =	sadd.s32 $0xA0, s24  }
0xa7: {  	v1 =	vld [tilespmem:s29+$0xFFFFFFB0];
	p0 =	slt.u32 s28, $0x2D;
	_ =	sdelay $0x1  }
0xa8: {  	v2 =	vld [tilespmem:s24+$0xFFFFFFB0];
	_ =	sdelay $0x2  }
0xa9: {  	vm0 =	vge.f32 v1, $1.000000010e-01  }
0xaa: {  	v1 =	vsel vm0, $0x3F8E38E4, v0  }
0xab: {  	v1 =	vmul.f32 v1, v2;
	_ =	sdelay $0x1  }
0xac: {  	[tilespmem:s23+$0xFFFFFFB0] =	vst v1  }
0xad: {  	v1 =	vld [tilespmem:s29+$0xFFFFFFC0];
	_ =	sdelay $0x1  }
0xae: {  	v2 =	vld [tilespmem:s24+$0xFFFFFFC0];
	_ =	sdelay $0x2  }
0xaf: {  	vm0 =	vge.f32 v1, $1.000000010e-01  }
0xb0: {  	v1 =	vsel vm0, $0x3F8E38E4, v0  }
0xb1: {  	v1 =	vmul.f32 v1, v2;
	_ =	sdelay $0x1  }
0xb2: {  	[tilespmem:s23+$0xFFFFFFC0] =	vst v1  }
0xb3: {  	v1 =	vld [tilespmem:s29+$0xFFFFFFD0];
	_ =	sdelay $0x1  }
0xb4: {  	v2 =	vld [tilespmem:s24+$0xFFFFFFD0];
	_ =	sdelay $0x2  }
0xb5: {  	vm0 =	vge.f32 v1, $1.000000010e-01  }
0xb6: {  	v1 =	vsel vm0, $0x3F8E38E4, v0  }
0xb7: {  	v1 =	vmul.f32 v1, v2;
	_ =	sdelay $0x1  }
0xb8: {  	[tilespmem:s23+$0xFFFFFFD0] =	vst v1  }
0xb9: {  	v1 =	vld [tilespmem:s29+$0xFFFFFFE0];
	_ =	sdelay $0x1  }
0xba: {  	v2 =	vld [tilespmem:s24+$0xFFFFFFE0];
	_ =	sdelay $0x2  }
0xbb: {  	vm0 =	vge.f32 v1, $1.000000010e-01  }
0xbc: {  	v1 =	vsel vm0, $0x3F8E38E4, v0  }
0xbd: {  	v1 =	vmul.f32 v1, v2;
	_ =	sdelay $0x1  }
0xbe: {  	[tilespmem:s23+$0xFFFFFFE0] =	vst v1  }
0xbf: {  	v1 =	vld [tilespmem:s29+$0xFFFFFFF0];
	_ =	sdelay $0x1  }
0xc0: {  	v2 =	vld [tilespmem:s24+$0xFFFFFFF0];
	_ =	sdelay $0x2  }
0xc1: {  	vm0 =	vge.f32 v1, $1.000000010e-01  }
0xc2: {  	v1 =	vsel vm0, $0x3F8E38E4, v0  }
0xc3: {  	v1 =	vmul.f32 v1, v2;
	_ =	sdelay $0x1  }
0xc4: {  	[tilespmem:s23+$0xFFFFFFF0] =	vst v1  }
0xc5: {  	v1 =	vld [tilespmem:s29+$0x0];
	_ =	sdelay $0x1  }
0xc6: {  	v2 =	vld [tilespmem:s24+$0x0];
	_ =	sdelay $0x2  }
0xc7: {  	vm0 =	vge.f32 v1, $1.000000010e-01  }
0xc8: {  	v1 =	vsel vm0, $0x3F8E38E4, v0  }
0xc9: {  	v1 =	vmul.f32 v1, v2;
	_ =	sdelay $0x1  }
0xca: {  	[tilespmem:s23+$0x0] =	vst v1  }
0xcb: {  	v1 =	vld [tilespmem:s29+$0x10]  }
0xcc: {  	v2 =	vld [tilespmem:s24+$0x10];
	_ =	sdelay $0x3  }
0xcd: {  	vm0 =	vge.f32 v1, $1.000000010e-01  }
0xce: {  	v1 =	vsel vm0, $0x3F8E38E4, v0  }
0xcf: {  	v1 =	vmul.f32 v1, v2;
	_ =	sdelay $0x1  }
0xd0: {  	[tilespmem:s23+$0x10] =	vst v1  }
0xd1: {  	v1 =	vld [tilespmem:s29+$0x20]  }
0xd2: {  	v2 =	vld [tilespmem:s24+$0x20];
	_ =	sdelay $0x3  }
0xd3: {  	vm0 =	vge.f32 v1, $1.000000010e-01  }
0xd4: {  	v1 =	vsel vm0, $0x3F8E38E4, v0  }
0xd5: {  	v1 =	vmul.f32 v1, v2;
	_ =	sdelay $0x1  }
0xd6: {  	[tilespmem:s23+$0x20] =	vst v1  }
0xd7: {  	v1 =	vld [tilespmem:s29+$0x30]  }
0xd8: {  	v2 =	vld [tilespmem:s24+$0x30];
	_ =	sdelay $0x3  }
0xd9: {  	vm0 =	vge.f32 v1, $1.000000010e-01  }
0xda: {  	v1 =	vsel vm0, $0x3F8E38E4, v0  }
0xdb: {  	v1 =	vmul.f32 v1, v2;
	_ =	sdelay $0x1  }
0xdc: {  	[tilespmem:s23+$0x30] =	vst v1  }
0xdd: {  	v1 =	vld [tilespmem:s29+$0x40]  }
0xde: {  	v2 =	vld [tilespmem:s24+$0x40];
	_ =	sdelay $0x2  }
.Ltmp0:
0xdf: {  	(pc) =	sbr.rel @p0 .LBB2_4-.Ltmp0, $4  }
0xe0: {  	vm0 =	vge.f32 v1, $1.000000010e-01  }
0xe1: {  	v1 =	vsel vm0, $0x3F8E38E4, v0  }
0xe2: {  	v1 =	vmul.f32 v1, v2  }
0xe3: {  	s29 =	sadd.s32 $0xA0, s29  }
0xe4: {  	s21 =	sadd.s32 $0x1, s21  }
0xe5: {  	p0 =	sne.s32 s21, $0x10  }
.Ltmp1:
0xe6: {  	_ = 	snop;
	(pc) =	sbr.rel @p0 .LBB2_3-.Ltmp1, $2  }
0xe7: {  	_ =	sdelay $0x2  }
0xe8: {  	[tilespmem:s23+$0x40] =	vst v1;
	s26 =	sadd.s32 $0x640, s26;
	s30 =	sadd.s32 $0x640, s30;
	s25 =	sadd.s32 $0x640, s25  }
0xe9: {  	s20 =	sadd.s32 $0x1, s20  }
0xea: {  	p0 =	sne.s32 s20, $0x8  }
.Ltmp2:
0xeb: {  	s21 =	sadd.s32 s6, s22;
	s30 =	simm.s32 $0x0;
	(pc) =	sbr.rel @p0 .LBB2_2-.Ltmp2, $4  }
0xec: {  	[hbm4b:s21+s30] =	stream.linear.scatter [tilespmem:s19], [sflag:$0x2], $0x6400, $0x38;
	[tilespmem:$0x12F80] =	vst v63  }
0xed: {  	_ =	swait.ge [sflag:s9], $0x6400  }
0xee: {  	[sflag:s9] =	ssyncset.done $0x0  }
0xef: {  	[sflag:s9] =	ssyncadd.s32 $0xFFFF9C00  }
0xf0: {  	s21 =	rddreg [dreg:$0x4]  }
0xf1: {  	s20 =	rddreg [dreg:$0x3];
	s21 =	sadd.s32 $0x1, s21  }
0xf2: {  	p0 =	sne.s32 s21, s20  }
.Ltmp3:
0xf3: {  	_ = 	snop;
	(pc) =	sbr.rel @p0 .LBB2_1-.Ltmp3, $1  }
0xf4: {  	_ =	sdelay $0x3  }
0xf5: {  	_ =	sfence.sel $0x180000  }
0xf6: {  	[bflag:$0x0] =	sbarrier.arrive $0xFFFF  }
0xf7: {  	_ =	strace $0x90000047  }
0xf8: {  	s0 =	stileid.u32;
	[bflag:$0x2] =	sbarrier.arrive $0xFFFF  }
0xf9: {  	p0 =	sne.s32 s0, $0x0;
	s0 =	rddreg [dreg:$0x2]  }
0xfa: {  	s0 =	sadd.s32 @!p0 $0x100000, s0  }
0xfb: {  	[sflag:s0] =	ssyncadd.tile.s32 @!p0 $0x1;
	_ =	shalt  }
.Lfunc_end2:
_tile_overlayer_lowered:
.L_overlay_start_2:
0xfc: {  	(tag) =	ssettag $0x2  }
0xfd: {  	s0 =	rddreg [dreg:$0x0];
	s2 =	stileid.u32  }
0xfe: {  	s1 =	rddreg [dreg:$0x1];
	p0 =	sne.s32 s2, $0x0  }
0xff: {  	s3 =	rddreg [dreg:$0x2];
	[bflag:$0x3] =	sbarrier.arrive $0xFFFF;
	s2 =	simm.s32 @!p0 $0x1C02  }
0x100: {  	[timem:s3], [sflag:s2] =	dma.local @!p0 [hbm:s0], s1  }
0x101: {  	s0 =	simm.s32 @!p0 $0x2  }
0x102: {  	_ =	swait.ge @!p0 [sflag:s0], s1  }
0x103: {  	s1 =	ssub.s32 @!p0 $0x0, s1;
	[sflag:s0] =	ssyncset.done @!p0 $0x0  }
0x104: {  	[sflag:s0] =	ssyncadd.s32 @!p0 s1  }
0x105: {  	[bflag:$0x3] =	sbarrier.arrive $0xFFFF  }
0x106: {  	_ =	shalt  }

</sc_bundles>
